<compile_context>
chip_gen: v7x
topology: tpu7x:2x2x1
jax: 0.10.2.dev20260603
libtpu: 0.0.44.dev20260713+nightly
codegen_flags: <defaults>
</compile_context>

<pallas_src>
import functools

import jax
import jax.numpy as jnp
from jax import lax
from jax.experimental import pallas as pl
from jax.experimental.pallas import tpu as pltpu
from jax.experimental.pallas import tpu_sc as plsc

B = 16
D = 768
MAXD = 512
NDOCS = B * MAXD
CHUNK = 2048
NCHUNK = 5
SROWS = NCHUNK * CHUNK
HALF = MAXD // 2
INV_T = 50.0


def _mm_body(nd_ref, q_ref, doc_ref, out_ref):
    out_ref[...] = lax.dot_general(
        q_ref[...],
        doc_ref[...],
        (((1,), (1,)), ((), ())),
        preferred_element_type=jnp.float32,
    )


def _doc_map(i, nd):
    total = nd[0]
    for k in range(1, B):
        total = total + nd[k]
    nlive_m1 = jnp.maximum((total + CHUNK - 1) // CHUNK - 1, 0)
    return (jnp.minimum(i, nlive_m1), 0)


def _out_map(i, nd):
    total = nd[0]
    for k in range(1, B):
        total = total + nd[k]
    nlive_m1 = jnp.maximum((total + CHUNK - 1) // CHUNK - 1, 0)
    return (0, jnp.minimum(i, nlive_m1))


def _tc_scores(q, doc_embeds, nd):
    return pl.pallas_call(
        _mm_body,
        grid_spec=pltpu.PrefetchScalarGridSpec(
            num_scalar_prefetch=1,
            grid=(NCHUNK,),
            in_specs=[
                pl.BlockSpec((B, D), lambda i, nd: (0, 0)),
                pl.BlockSpec((CHUNK, D), _doc_map),
            ],
            out_specs=pl.BlockSpec((B, CHUNK), _out_map),
        ),
        out_shape=jax.ShapeDtypeStruct((B, SROWS), jnp.float32),
    )(nd, q, doc_embeds)


def _sc_body(st_hbm, nd_hbm, out_hbm, ndbuf, dbuf, outbuf):
    b = lax.axis_index("s")
    half = lax.axis_index("c")

    pltpu.sync_copy(nd_hbm, ndbuf)
    nd_vec = ndbuf[...]
    iota = lax.iota(jnp.int32, 16)
    offs_vec = plsc.cumsum(nd_vec) - nd_vec
    off_b = jnp.sum(jnp.where(iota == b, offs_vec, 0))

    start = b * SROWS + off_b + half * HALF
    astart = (start // 16) * 16
    m = start - astart
    pltpu.sync_copy(st_hbm.at[pl.ds(astart, HALF + 16)], dbuf)

    for g in range(HALF // 16):
        outbuf[pl.ds(g * 16, 16)] = plsc.load_gather(dbuf, [m + g * 16 + iota])
    pltpu.sync_copy(outbuf, out_hbm.at[pl.ds(b * MAXD + half * HALF, HALF)])


def _sc_extract(st_flat, nd):
    kfn = functools.partial(
        pl.kernel,
        mesh=plsc.VectorSubcoreMesh(core_axis_name="c", subcore_axis_name="s"),
        compiler_params=pltpu.CompilerParams(needs_layout_passes=False),
        out_type=jax.ShapeDtypeStruct((NDOCS,), jnp.float32),
        scratch_types=[
            pltpu.VMEM((B,), jnp.int32),
            pltpu.VMEM((HALF + 16,), jnp.float32),
            pltpu.VMEM((HALF,), jnp.float32),
        ],
    )(_sc_body)
    return kfn(st_flat, nd)


def _tc_body(nd_smem, sim_ref, labels_ref, ndv_ref, out_ref):
    sim = sim_ref[...] * INV_T
    ndcol = ndv_ref[...]
    pos = lax.broadcasted_iota(jnp.int32, (B, MAXD), 1)
    mask = pos < ndcol
    sims = jnp.where(mask, sim, -jnp.inf)
    mx = jnp.max(sims, axis=1, keepdims=True)
    mxs = jnp.where(ndcol > 0, mx, 0.0)
    ex = jnp.where(mask, jnp.exp(sims - mxs), 0.0)
    sexp = jnp.sum(ex, axis=1, keepdims=True)
    logz = jnp.log(sexp)

    labels = labels_ref[...]
    pt = jnp.where(mask, labels, 0.0)
    s = jnp.sum(pt, axis=1, keepdims=True) + 1e-9
    pt = pt / s
    logpt = jnp.log(jnp.where(pt > 0, pt, 1.0))
    logsm = sims - mxs - logz
    terms = jnp.where(mask, pt * logpt - pt * logsm, 0.0)
    out_ref[0, 0] = jnp.sum(terms) * (1.0 / B)


def _tc_loss(sim2d, soft_labels, nd):
    return pl.pallas_call(
        _tc_body,
        in_specs=[
            pl.BlockSpec(memory_space=pltpu.SMEM),
            pl.BlockSpec((B, MAXD), lambda: (0, 0)),
            pl.BlockSpec((B, MAXD), lambda: (0, 0)),
            pl.BlockSpec((B, 1), lambda: (0, 0)),
        ],
        out_specs=pl.BlockSpec(memory_space=pltpu.SMEM),
        out_shape=jax.ShapeDtypeStruct((1, 1), jnp.float32),
    )(nd, sim2d, soft_labels, nd.reshape(B, 1))


def kernel(query_embeds, doc_embeds, soft_labels, num_docs_per_sample):
    nd = num_docs_per_sample.astype(jnp.int32)
    st = _tc_scores(query_embeds, doc_embeds, nd)
    simflat = _sc_extract(st.reshape(-1), nd)
    sim2d = simflat.reshape(B, MAXD)
    out = _tc_loss(sim2d, soft_labels, nd)
    return out[0, 0]

# --- scband reference (transcript-rebuilt; emitter-appended) ---
"""Pipeline reference for scband-distill-loss-88476326298380 (READ-ONLY COPY).

The authoritative reference and input builder live on the scoring server;
editing this copy changes nothing except your own understanding.
"""

import jax, jax.numpy as jnp
import numpy as np
from jax.scipy.special import xlogy


def setup_inputs(seed: int = 0) -> dict:
    key = jax.random.key(seed)
    k1, k2, k3, k4 = jax.random.split(key, 4)
    B, D, MAXD = 16, 768, 512
    return {
        "query_embeds": jax.random.normal(k1, (B, D), dtype=jnp.float32),
        "doc_embeds": jax.random.normal(k2, (B * MAXD, D), dtype=jnp.float32),
        "soft_labels": jax.random.uniform(k3, (B, MAXD), dtype=jnp.float32),
        "num_docs_per_sample": jax.random.randint(k4, (B,), 0, 512),
    }


def reference(query_embeds, doc_embeds, soft_labels, num_docs_per_sample):
    student_temperature = 0.02
    B = query_embeds.shape[0]
    MAXD = soft_labels.shape[1]
    nd = num_docs_per_sample
    offsets = jnp.concatenate(
        [jnp.zeros((1,), dtype=nd.dtype), jnp.cumsum(nd)[:-1]]
    )
    pos = jnp.arange(MAXD)
    idx = jnp.clip(offsets[:, None] + pos[None, :], 0, doc_embeds.shape[0] - 1)
    docs = doc_embeds[idx]
    sim = jnp.einsum("bd,bmd->bm", query_embeds, docs) / student_temperature
    mask = pos[None, :] < nd[:, None]
    sim = jnp.where(mask, sim, -jnp.inf)
    p_student_log = jax.nn.log_softmax(sim, axis=-1)
    p_teacher = jnp.where(mask, soft_labels, 0.0)
    p_teacher = p_teacher / (jnp.sum(p_teacher, axis=-1, keepdims=True) + 1e-09)
    # torch F.kl_div(log_p_student, p_teacher, reduction='sum')
    #   = sum( p_t * log(p_t) - p_t * log_p_student ), with 0*log(0)=0
    terms = jnp.where(
        mask, xlogy(p_teacher, p_teacher) - p_teacher * p_student_log, 0.0
    )
    losses = jnp.sum(terms, axis=-1)
    total_loss = jax.lax.fori_loop(
        0, B, lambda i, acc: acc + losses[i], jnp.asarray(0.0, dtype=jnp.float32)
    )
    return total_loss / B

if __name__ == "__main__":
    import jax
    _d = setup_inputs()
    print(jax.jit(kernel)(*tuple(_d.values())))

</pallas_src>

<mosaic_0001>
#map = affine_map<(d0, d1) -> (0)>
module attributes {stable_mosaic.version = 14 : i64} {
  func.func @_sc_body(%arg0: i32, %arg1: i32, %arg2: memref<163840xf32, #tpu.memory_space<hbm>>, %arg3: memref<16xi32, #tpu.memory_space<hbm>>, %arg4: memref<8192xf32, #tpu.memory_space<hbm>>, %arg5: memref<16xi32, #tpu.memory_space<vmem>>, %arg6: memref<272xf32, #tpu.memory_space<vmem>>, %arg7: memref<256xf32, #tpu.memory_space<vmem>>) attributes {dimension_semantics = [#tpu.dimension_semantics<core_parallel>, #tpu.dimension_semantics<subcore_parallel>], iteration_bounds = array<i64: 2, 16>, scalar_prefetch = 0 : i64, scratch_operands = 3 : i64, tpu.core_type = #tpu.core_type<sc_vector_subcore>, window_params = [{transform_indices = #map}, {transform_indices = #map}, {transform_indices = #map}]} {
    "tpu.region"() ({
      %run_scoped3A = tpu.sem_alloc : memref<!tpu.dma_semaphore, #tpu.memory_space<semaphore_mem>>
      tpu.enqueue_dma source(%arg3 : memref<16xi32, #tpu.memory_space<hbm>>) target(%arg5 : memref<16xi32, #tpu.memory_space<vmem>>) target_semaphore(%run_scoped3A : memref<!tpu.dma_semaphore, #tpu.memory_space<semaphore_mem>>)
      tpu.wait_dma2 semaphore(%run_scoped3A : memref<!tpu.dma_semaphore, #tpu.memory_space<semaphore_mem>>) src(%arg3 : memref<16xi32, #tpu.memory_space<hbm>>) dst(%arg5 : memref<16xi32, #tpu.memory_space<vmem>>)
      tpu.yield
    }) : () -> ()
    %get3A = arith.constant 0 : index
    %get3A_0 = tpu.vector_load %arg5[%get3A] {strides = array<i32>} : memref<16xi32, #tpu.memory_space<vmem>>, vector<16xi32>,
    %iota3A = tpu.iota {dimensions = array<i32: 0>} : vector<16xi32>
    %broadcast_in_dim3A = arith.constant true
    %broadcast_in_dim3A_1 = vector.broadcast %broadcast_in_dim3A : i1 to vector<16xi1>
    %masked_cumsum3A = tpu.scan <sum>, %get3A_0 masked %broadcast_in_dim3A_1 : vector<16xi32>, vector<16xi1> -> vector<16xi32>
    %sub3A = arith.subi %masked_cumsum3A, %get3A_0 : vector<16xi32>
    %eq3A = vector.broadcast %arg1 : i32 to vector<16xi32>
    %eq3A_2 = arith.cmpi eq, %iota3A, %eq3A : vector<16xi32>
    %jit3A = arith.constant 0 : i32
    %broadcast_in_dim3A_3 = vector.broadcast %jit3A : i32 to vector<16xi32>
    %select_n3A = arith.select %eq3A_2, %sub3A, %broadcast_in_dim3A_3 : vector<16xi1>, vector<16xi32>
    %reduce_sum3A = arith.constant true
    %reduce_sum3A_4 = vector.broadcast %reduce_sum3A : i1 to vector<16xi1>
    %reduce_sum3A_5 = tpu.scan <sum>, %select_n3A masked %reduce_sum3A_4 : vector<16xi32>, vector<16xi1> -> vector<16xi32>
    %reduce_sum3A_6 = vector.extract %reduce_sum3A_5[15] : i32 from vector<16xi32>
    %mul3A = arith.constant 10240 : i32
    %mul3A_7 = arith.muli %arg1, %mul3A : i32
    %add3A = arith.addi %mul3A_7, %reduce_sum3A_6 : i32
    %mul3A_8 = arith.constant 256 : i32
    %mul3A_9 = arith.muli %arg0, %mul3A_8 : i32
    %add3A_10 = arith.addi %add3A, %mul3A_9 : i32
    %jit3A_11 = arith.constant 16 : i32
    %div3A = arith.divsi %add3A_10, %jit3A_11 : i32
    %sign3A = arith.constant 0 : i32
    %sign3A_12 = arith.cmpi sgt, %add3A_10, %sign3A : i32
    %sign3A_13 = arith.extui %sign3A_12 : i1 to i32
    %sign3A_14 = arith.constant 0 : i32
    %sign3A_15 = arith.cmpi slt, %add3A_10, %sign3A_14 : i32
    %sign3A_16 = arith.extui %sign3A_15 : i1 to i32
    %sign3A_17 = arith.subi %sign3A_13, %sign3A_16 : i32
    %sign3A_18 = arith.constant 0 : i32
    %sign3A_19 = arith.cmpi sgt, %jit3A_11, %sign3A_18 : i32
    %sign3A_20 = arith.extui %sign3A_19 : i1 to i32
    %sign3A_21 = arith.constant 0 : i32
    %sign3A_22 = arith.cmpi slt, %jit3A_11, %sign3A_21 : i32
    %sign3A_23 = arith.extui %sign3A_22 : i1 to i32
    %sign3A_24 = arith.subi %sign3A_20, %sign3A_23 : i32
    %ne3A = arith.cmpi ne, %sign3A_17, %sign3A_24 : i32
    %rem3A = arith.remsi %add3A_10, %jit3A_11 : i32
    %ne3A_25 = arith.constant 0 : i32
    %ne3A_26 = arith.cmpi ne, %rem3A, %ne3A_25 : i32
    %and3A = arith.andi %ne3A, %ne3A_26 : i1
    %sub3A_27 = arith.constant 1 : i32
    %sub3A_28 = arith.subi %div3A, %sub3A_27 : i32
    %select_n3A_29 = arith.select %and3A, %sub3A_28, %div3A : i32
    %mul3A_30 = arith.constant 16 : i32
    %mul3A_31 = arith.muli %select_n3A_29, %mul3A_30 : i32
    %sub3A_32 = arith.subi %add3A_10, %mul3A_31 : i32
    "tpu.region"() ({
      %run_scoped3A = tpu.sem_alloc : memref<!tpu.dma_semaphore, #tpu.memory_space<semaphore_mem>>
      %dma_start3A = tpu.memref_slice %arg2[%mul3A_31] : memref<163840xf32, #tpu.memory_space<hbm>> -> memref<272xf32, #tpu.memory_space<hbm>>
      %dma_start3A_148 = tpu.memref_slice %arg2[%mul3A_31] : memref<163840xf32, #tpu.memory_space<hbm>> -> memref<272xf32, #tpu.memory_space<hbm>>
      tpu.enqueue_dma source(%dma_start3A_148 : memref<272xf32, #tpu.memory_space<hbm>>) target(%arg6 : memref<272xf32, #tpu.memory_space<vmem>>) target_semaphore(%run_scoped3A : memref<!tpu.dma_semaphore, #tpu.memory_space<semaphore_mem>>)
      %dma_wait3A = tpu.memref_slice %arg2[%mul3A_31] : memref<163840xf32, #tpu.memory_space<hbm>> -> memref<272xf32, #tpu.memory_space<hbm>>
      %dma_wait3A_149 = tpu.memref_slice %arg2[%mul3A_31] : memref<163840xf32, #tpu.memory_space<hbm>> -> memref<272xf32, #tpu.memory_space<hbm>>
      tpu.wait_dma2 semaphore(%run_scoped3A : memref<!tpu.dma_semaphore, #tpu.memory_space<semaphore_mem>>) src(%dma_wait3A_149 : memref<272xf32, #tpu.memory_space<hbm>>) dst(%arg6 : memref<272xf32, #tpu.memory_space<vmem>>)
      tpu.yield
    }) : () -> ()
    %add3A_33 = arith.constant 0 : i32
    %add3A_34 = arith.addi %sub3A_32, %add3A_33 : i32
    %add3A_35 = vector.broadcast %add3A_34 : i32 to vector<16xi32>
    %add3A_36 = arith.addi %add3A_35, %iota3A : vector<16xi32>
    %gather3A = tpu.vector_load_idx %arg6[%add3A_36] : memref<272xf32, #tpu.memory_space<vmem>>[vector<16xi32>], vector<16xf32>,
    %swap3A = arith.constant 0 : index
    %swap3A_37 = tpu.vector_load %arg7[%swap3A] {strides = array<i32>} : memref<256xf32, #tpu.memory_space<vmem>>, vector<16xf32>,
    tpu.vector_store %arg7[%swap3A], %gather3A {strides = array<i32>} : memref<256xf32, #tpu.memory_space<vmem>>, vector<16xf32>,
    %add3A_38 = arith.constant 16 : i32
    %add3A_39 = arith.addi %sub3A_32, %add3A_38 : i32
    %add3A_40 = vector.broadcast %add3A_39 : i32 to vector<16xi32>
    %add3A_41 = arith.addi %add3A_40, %iota3A : vector<16xi32>
    %gather3A_42 = tpu.vector_load_idx %arg6[%add3A_41] : memref<272xf32, #tpu.memory_space<vmem>>[vector<16xi32>], vector<16xf32>,
    %swap3A_43 = arith.constant 16 : index
    %swap3A_44 = tpu.vector_load %arg7[%swap3A_43] {strides = array<i32>} : memref<256xf32, #tpu.memory_space<vmem>>, vector<16xf32>,
    tpu.vector_store %arg7[%swap3A_43], %gather3A_42 {strides = array<i32>} : memref<256xf32, #tpu.memory_space<vmem>>, vector<16xf32>,
    %add3A_45 = arith.constant 32 : i32
    %add3A_46 = arith.addi %sub3A_32, %add3A_45 : i32
    %add3A_47 = vector.broadcast %add3A_46 : i32 to vector<16xi32>
    %add3A_48 = arith.addi %add3A_47, %iota3A : vector<16xi32>
    %gather3A_49 = tpu.vector_load_idx %arg6[%add3A_48] : memref<272xf32, #tpu.memory_space<vmem>>[vector<16xi32>], vector<16xf32>,
    %swap3A_50 = arith.constant 32 : index
    %swap3A_51 = tpu.vector_load %arg7[%swap3A_50] {strides = array<i32>} : memref<256xf32, #tpu.memory_space<vmem>>, vector<16xf32>,
    tpu.vector_store %arg7[%swap3A_50], %gather3A_49 {strides = array<i32>} : memref<256xf32, #tpu.memory_space<vmem>>, vector<16xf32>,
    %add3A_52 = arith.constant 48 : i32
    %add3A_53 = arith.addi %sub3A_32, %add3A_52 : i32
    %add3A_54 = vector.broadcast %add3A_53 : i32 to vector<16xi32>
    %add3A_55 = arith.addi %add3A_54, %iota3A : vector<16xi32>
    %gather3A_56 = tpu.vector_load_idx %arg6[%add3A_55] : memref<272xf32, #tpu.memory_space<vmem>>[vector<16xi32>], vector<16xf32>,
    %swap3A_57 = arith.constant 48 : index
    %swap3A_58 = tpu.vector_load %arg7[%swap3A_57] {strides = array<i32>} : memref<256xf32, #tpu.memory_space<vmem>>, vector<16xf32>,
    tpu.vector_store %arg7[%swap3A_57], %gather3A_56 {strides = array<i32>} : memref<256xf32, #tpu.memory_space<vmem>>, vector<16xf32>,
    %add3A_59 = arith.constant 64 : i32
    %add3A_60 = arith.addi %sub3A_32, %add3A_59 : i32
    %add3A_61 = vector.broadcast %add3A_60 : i32 to vector<16xi32>
    %add3A_62 = arith.addi %add3A_61, %iota3A : vector<16xi32>
    %gather3A_63 = tpu.vector_load_idx %arg6[%add3A_62] : memref<272xf32, #tpu.memory_space<vmem>>[vector<16xi32>], vector<16xf32>,
    %swap3A_64 = arith.constant 64 : index
    %swap3A_65 = tpu.vector_load %arg7[%swap3A_64] {strides = array<i32>} : memref<256xf32, #tpu.memory_space<vmem>>, vector<16xf32>,
    tpu.vector_store %arg7[%swap3A_64], %gather3A_63 {strides = array<i32>} : memref<256xf32, #tpu.memory_space<vmem>>, vector<16xf32>,
    %add3A_66 = arith.constant 80 : i32
    %add3A_67 = arith.addi %sub3A_32, %add3A_66 : i32
    %add3A_68 = vector.broadcast %add3A_67 : i32 to vector<16xi32>
    %add3A_69 = arith.addi %add3A_68, %iota3A : vector<16xi32>
    %gather3A_70 = tpu.vector_load_idx %arg6[%add3A_69] : memref<272xf32, #tpu.memory_space<vmem>>[vector<16xi32>], vector<16xf32>,
    %swap3A_71 = arith.constant 80 : index
    %swap3A_72 = tpu.vector_load %arg7[%swap3A_71] {strides = array<i32>} : memref<256xf32, #tpu.memory_space<vmem>>, vector<16xf32>,
    tpu.vector_store %arg7[%swap3A_71], %gather3A_70 {strides = array<i32>} : memref<256xf32, #tpu.memory_space<vmem>>, vector<16xf32>,
    %add3A_73 = arith.constant 96 : i32
    %add3A_74 = arith.addi %sub3A_32, %add3A_73 : i32
    %add3A_75 = vector.broadcast %add3A_74 : i32 to vector<16xi32>
    %add3A_76 = arith.addi %add3A_75, %iota3A : vector<16xi32>
    %gather3A_77 = tpu.vector_load_idx %arg6[%add3A_76] : memref<272xf32, #tpu.memory_space<vmem>>[vector<16xi32>], vector<16xf32>,
    %swap3A_78 = arith.constant 96 : index
    %swap3A_79 = tpu.vector_load %arg7[%swap3A_78] {strides = array<i32>} : memref<256xf32, #tpu.memory_space<vmem>>, vector<16xf32>,
    tpu.vector_store %arg7[%swap3A_78], %gather3A_77 {strides = array<i32>} : memref<256xf32, #tpu.memory_space<vmem>>, vector<16xf32>,
    %add3A_80 = arith.constant 112 : i32
    %add3A_81 = arith.addi %sub3A_32, %add3A_80 : i32
    %add3A_82 = vector.broadcast %add3A_81 : i32 to vector<16xi32>
    %add3A_83 = arith.addi %add3A_82, %iota3A : vector<16xi32>
    %gather3A_84 = tpu.vector_load_idx %arg6[%add3A_83] : memref<272xf32, #tpu.memory_space<vmem>>[vector<16xi32>], vector<16xf32>,
    %swap3A_85 = arith.constant 112 : index
    %swap3A_86 = tpu.vector_load %arg7[%swap3A_85] {strides = array<i32>} : memref<256xf32, #tpu.memory_space<vmem>>, vector<16xf32>,
    tpu.vector_store %arg7[%swap3A_85], %gather3A_84 {strides = array<i32>} : memref<256xf32, #tpu.memory_space<vmem>>, vector<16xf32>,
    %add3A_87 = arith.constant 128 : i32
    %add3A_88 = arith.addi %sub3A_32, %add3A_87 : i32
    %add3A_89 = vector.broadcast %add3A_88 : i32 to vector<16xi32>
    %add3A_90 = arith.addi %add3A_89, %iota3A : vector<16xi32>
    %gather3A_91 = tpu.vector_load_idx %arg6[%add3A_90] : memref<272xf32, #tpu.memory_space<vmem>>[vector<16xi32>], vector<16xf32>,
    %swap3A_92 = arith.constant 128 : index
    %swap3A_93 = tpu.vector_load %arg7[%swap3A_92] {strides = array<i32>} : memref<256xf32, #tpu.memory_space<vmem>>, vector<16xf32>,
    tpu.vector_store %arg7[%swap3A_92], %gather3A_91 {strides = array<i32>} : memref<256xf32, #tpu.memory_space<vmem>>, vector<16xf32>,
    %add3A_94 = arith.constant 144 : i32
    %add3A_95 = arith.addi %sub3A_32, %add3A_94 : i32
    %add3A_96 = vector.broadcast %add3A_95 : i32 to vector<16xi32>
    %add3A_97 = arith.addi %add3A_96, %iota3A : vector<16xi32>
    %gather3A_98 = tpu.vector_load_idx %arg6[%add3A_97] : memref<272xf32, #tpu.memory_space<vmem>>[vector<16xi32>], vector<16xf32>,
    %swap3A_99 = arith.constant 144 : index
    %swap3A_100 = tpu.vector_load %arg7[%swap3A_99] {strides = array<i32>} : memref<256xf32, #tpu.memory_space<vmem>>, vector<16xf32>,
    tpu.vector_store %arg7[%swap3A_99], %gather3A_98 {strides = array<i32>} : memref<256xf32, #tpu.memory_space<vmem>>, vector<16xf32>,
    %add3A_101 = arith.constant 160 : i32
    %add3A_102 = arith.addi %sub3A_32, %add3A_101 : i32
    %add3A_103 = vector.broadcast %add3A_102 : i32 to vector<16xi32>
    %add3A_104 = arith.addi %add3A_103, %iota3A : vector<16xi32>
    %gather3A_105 = tpu.vector_load_idx %arg6[%add3A_104] : memref<272xf32, #tpu.memory_space<vmem>>[vector<16xi32>], vector<16xf32>,
    %swap3A_106 = arith.constant 160 : index
    %swap3A_107 = tpu.vector_load %arg7[%swap3A_106] {strides = array<i32>} : memref<256xf32, #tpu.memory_space<vmem>>, vector<16xf32>,
    tpu.vector_store %arg7[%swap3A_106], %gather3A_105 {strides = array<i32>} : memref<256xf32, #tpu.memory_space<vmem>>, vector<16xf32>,
    %add3A_108 = arith.constant 176 : i32
    %add3A_109 = arith.addi %sub3A_32, %add3A_108 : i32
    %add3A_110 = vector.broadcast %add3A_109 : i32 to vector<16xi32>
    %add3A_111 = arith.addi %add3A_110, %iota3A : vector<16xi32>
    %gather3A_112 = tpu.vector_load_idx %arg6[%add3A_111] : memref<272xf32, #tpu.memory_space<vmem>>[vector<16xi32>], vector<16xf32>,
    %swap3A_113 = arith.constant 176 : index
    %swap3A_114 = tpu.vector_load %arg7[%swap3A_113] {strides = array<i32>} : memref<256xf32, #tpu.memory_space<vmem>>, vector<16xf32>,
    tpu.vector_store %arg7[%swap3A_113], %gather3A_112 {strides = array<i32>} : memref<256xf32, #tpu.memory_space<vmem>>, vector<16xf32>,
    %add3A_115 = arith.constant 192 : i32
    %add3A_116 = arith.addi %sub3A_32, %add3A_115 : i32
    %add3A_117 = vector.broadcast %add3A_116 : i32 to vector<16xi32>
    %add3A_118 = arith.addi %add3A_117, %iota3A : vector<16xi32>
    %gather3A_119 = tpu.vector_load_idx %arg6[%add3A_118] : memref<272xf32, #tpu.memory_space<vmem>>[vector<16xi32>], vector<16xf32>,
    %swap3A_120 = arith.constant 192 : index
    %swap3A_121 = tpu.vector_load %arg7[%swap3A_120] {strides = array<i32>} : memref<256xf32, #tpu.memory_space<vmem>>, vector<16xf32>,
    tpu.vector_store %arg7[%swap3A_120], %gather3A_119 {strides = array<i32>} : memref<256xf32, #tpu.memory_space<vmem>>, vector<16xf32>,
    %add3A_122 = arith.constant 208 : i32
    %add3A_123 = arith.addi %sub3A_32, %add3A_122 : i32
    %add3A_124 = vector.broadcast %add3A_123 : i32 to vector<16xi32>
    %add3A_125 = arith.addi %add3A_124, %iota3A : vector<16xi32>
    %gather3A_126 = tpu.vector_load_idx %arg6[%add3A_125] : memref<272xf32, #tpu.memory_space<vmem>>[vector<16xi32>], vector<16xf32>,
    %swap3A_127 = arith.constant 208 : index
    %swap3A_128 = tpu.vector_load %arg7[%swap3A_127] {strides = array<i32>} : memref<256xf32, #tpu.memory_space<vmem>>, vector<16xf32>,
    tpu.vector_store %arg7[%swap3A_127], %gather3A_126 {strides = array<i32>} : memref<256xf32, #tpu.memory_space<vmem>>, vector<16xf32>,
    %add3A_129 = arith.constant 224 : i32
    %add3A_130 = arith.addi %sub3A_32, %add3A_129 : i32
    %add3A_131 = vector.broadcast %add3A_130 : i32 to vector<16xi32>
    %add3A_132 = arith.addi %add3A_131, %iota3A : vector<16xi32>
    %gather3A_133 = tpu.vector_load_idx %arg6[%add3A_132] : memref<272xf32, #tpu.memory_space<vmem>>[vector<16xi32>], vector<16xf32>,
    %swap3A_134 = arith.constant 224 : index
    %swap3A_135 = tpu.vector_load %arg7[%swap3A_134] {strides = array<i32>} : memref<256xf32, #tpu.memory_space<vmem>>, vector<16xf32>,
    tpu.vector_store %arg7[%swap3A_134], %gather3A_133 {strides = array<i32>} : memref<256xf32, #tpu.memory_space<vmem>>, vector<16xf32>,
    %add3A_136 = arith.constant 240 : i32
    %add3A_137 = arith.addi %sub3A_32, %add3A_136 : i32
    %add3A_138 = vector.broadcast %add3A_137 : i32 to vector<16xi32>
    %add3A_139 = arith.addi %add3A_138, %iota3A : vector<16xi32>
    %gather3A_140 = tpu.vector_load_idx %arg6[%add3A_139] : memref<272xf32, #tpu.memory_space<vmem>>[vector<16xi32>], vector<16xf32>,
    %swap3A_141 = arith.constant 240 : index
    %swap3A_142 = tpu.vector_load %arg7[%swap3A_141] {strides = array<i32>} : memref<256xf32, #tpu.memory_space<vmem>>, vector<16xf32>,
    tpu.vector_store %arg7[%swap3A_141], %gather3A_140 {strides = array<i32>} : memref<256xf32, #tpu.memory_space<vmem>>, vector<16xf32>,
    %mul3A_143 = arith.constant 512 : i32
    %mul3A_144 = arith.muli %arg1, %mul3A_143 : i32
    %mul3A_145 = arith.constant 256 : i32
    %mul3A_146 = arith.muli %arg0, %mul3A_145 : i32
    %add3A_147 = arith.addi %mul3A_144, %mul3A_146 : i32
    "tpu.region"() ({
      %run_scoped3A = tpu.sem_alloc : memref<!tpu.dma_semaphore, #tpu.memory_space<semaphore_mem>>
      %dma_start3A = tpu.memref_slice %arg4[%add3A_147] : memref<8192xf32, #tpu.memory_space<hbm>> -> memref<256xf32, #tpu.memory_space<hbm>>
      %dma_start3A_148 = tpu.memref_slice %arg4[%add3A_147] : memref<8192xf32, #tpu.memory_space<hbm>> -> memref<256xf32, #tpu.memory_space<hbm>>
      tpu.enqueue_dma source(%arg7 : memref<256xf32, #tpu.memory_space<vmem>>) target(%dma_start3A_148 : memref<256xf32, #tpu.memory_space<hbm>>) target_semaphore(%run_scoped3A : memref<!tpu.dma_semaphore, #tpu.memory_space<semaphore_mem>>)
      %dma_wait3A = tpu.memref_slice %arg4[%add3A_147] : memref<8192xf32, #tpu.memory_space<hbm>> -> memref<256xf32, #tpu.memory_space<hbm>>
      %dma_wait3A_149 = tpu.memref_slice %arg4[%add3A_147] : memref<8192xf32, #tpu.memory_space<hbm>> -> memref<256xf32, #tpu.memory_space<hbm>>
      tpu.wait_dma2 semaphore(%run_scoped3A : memref<!tpu.dma_semaphore, #tpu.memory_space<semaphore_mem>>) src(%arg7 : memref<256xf32, #tpu.memory_space<vmem>>) dst(%dma_wait3A_149 : memref<256xf32, #tpu.memory_space<hbm>>)
      tpu.yield
    }) : () -> ()
    return
  }
}

module attributes {stable_mosaic.version = 14 : i64} {
  func.func @_tc_body(%arg0: memref<16xi32, #tpu.memory_space<smem>>, %arg1: memref<16x512xf32, #tpu.memory_space<vmem>>, %arg2: memref<16x512xf32, #tpu.memory_space<vmem>>, %arg3: memref<16x1xi32, #tpu.memory_space<vmem>>, %arg4: memref<1x1xf32, #tpu.memory_space<smem>>) attributes {dimension_semantics = [], scalar_prefetch = 0 : i64, scratch_operands = 0 : i64, tpu.core_type = #tpu.core_type<tc>} {
    %get3A = arith.constant 0 : index
    %get3A_0 = arith.constant 0 : index
    %get3A_1 = vector.load %arg1[%get3A, %get3A_0] : memref<16x512xf32, #tpu.memory_space<vmem>>, vector<16x512xf32>
    %mul3A = arith.constant 5.000000e+01 : f32
    %mul3A_2 = vector.broadcast %mul3A : f32 to vector<16x512xf32>
    %mul3A_3 = arith.mulf %get3A_1, %mul3A_2 : vector<16x512xf32>
    %get3A_4 = arith.constant 0 : index
    %get3A_5 = arith.constant 0 : index
    %get3A_6 = vector.load %arg3[%get3A_4, %get3A_5] : memref<16x1xi32, #tpu.memory_space<vmem>>, vector<16x1xi32>
    %iota3A = tpu.iota {dimensions = array<i32: 1>} : vector<16x512xi32>
    %lt3A = vector.broadcast %get3A_6 : vector<16x1xi32> to vector<16x512xi32>
    %lt3A_7 = arith.cmpi slt, %iota3A, %lt3A : vector<16x512xi32>
    %jit3A = arith.constant 0xFF800000 : f32
    %broadcast_in_dim3A = vector.broadcast %jit3A : f32 to vector<16x512xf32>
    %select_n3A = arith.select %lt3A_7, %mul3A_3, %broadcast_in_dim3A : vector<16x512xi1>, vector<16x512xf32>
    %reduce_max3A = arith.constant dense<0xFF800000> : vector<16xf32>
    %reduce_max3A_8 = vector.multi_reduction <maximumf>, %select_n3A, %reduce_max3A [1] : vector<16x512xf32> to vector<16xf32>
    %broadcast_in_dim3A_9 = vector.shape_cast %reduce_max3A_8 : vector<16xf32> to vector<16x1xf32>
    %gt3A = arith.constant 0 : i32
    %gt3A_10 = vector.broadcast %gt3A : i32 to vector<16x1xi32>
    %gt3A_11 = arith.cmpi sgt, %get3A_6, %gt3A_10 : vector<16x1xi32>
    %jit3A_12 = arith.constant 0.000000e+00 : f32
    %broadcast_in_dim3A_13 = vector.broadcast %jit3A_12 : f32 to vector<16x1xf32>
    %select_n3A_14 = arith.select %gt3A_11, %broadcast_in_dim3A_9, %broadcast_in_dim3A_13 : vector<16x1xi1>, vector<16x1xf32>
    %sub3A = vector.broadcast %select_n3A_14 : vector<16x1xf32> to vector<16x512xf32>
    %sub3A_15 = arith.subf %select_n3A, %sub3A : vector<16x512xf32>
    %exp3A = math.exp %sub3A_15 : vector<16x512xf32>
    %jit3A_16 = arith.constant 0.000000e+00 : f32
    %broadcast_in_dim3A_17 = vector.broadcast %jit3A_16 : f32 to vector<16x512xf32>
    %select_n3A_18 = arith.select %lt3A_7, %exp3A, %broadcast_in_dim3A_17 : vector<16x512xi1>, vector<16x512xf32>
    %reduce_sum3A = arith.constant dense<0.000000e+00> : vector<16xf32>
    %reduce_sum3A_19 = vector.multi_reduction <add>, %select_n3A_18, %reduce_sum3A [1] : vector<16x512xf32> to vector<16xf32>
    %broadcast_in_dim3A_20 = vector.shape_cast %reduce_sum3A_19 : vector<16xf32> to vector<16x1xf32>
    %log3A = math.log %broadcast_in_dim3A_20 : vector<16x1xf32>
    %get3A_21 = arith.constant 0 : index
    %get3A_22 = arith.constant 0 : index
    %get3A_23 = vector.load %arg2[%get3A_21, %get3A_22] : memref<16x512xf32, #tpu.memory_space<vmem>>, vector<16x512xf32>
    %jit3A_24 = arith.constant 0.000000e+00 : f32
    %broadcast_in_dim3A_25 = vector.broadcast %jit3A_24 : f32 to vector<16x512xf32>
    %select_n3A_26 = arith.select %lt3A_7, %get3A_23, %broadcast_in_dim3A_25 : vector<16x512xi1>, vector<16x512xf32>
    %reduce_sum3A_27 = arith.constant dense<0.000000e+00> : vector<16xf32>
    %reduce_sum3A_28 = vector.multi_reduction <add>, %select_n3A_26, %reduce_sum3A_27 [1] : vector<16x512xf32> to vector<16xf32>
    %broadcast_in_dim3A_29 = vector.shape_cast %reduce_sum3A_28 : vector<16xf32> to vector<16x1xf32>
    %add3A = arith.constant 9.99999971E-10 : f32
    %add3A_30 = vector.broadcast %add3A : f32 to vector<16x1xf32>
    %add3A_31 = arith.addf %broadcast_in_dim3A_29, %add3A_30 : vector<16x1xf32>
    %div3A = vector.broadcast %add3A_31 : vector<16x1xf32> to vector<16x512xf32>
    %div3A_32 = arith.divf %select_n3A_26, %div3A : vector<16x512xf32>
    %gt3A_33 = arith.constant 0.000000e+00 : f32
    %gt3A_34 = vector.broadcast %gt3A_33 : f32 to vector<16x512xf32>
    %gt3A_35 = arith.cmpf ogt, %div3A_32, %gt3A_34 : vector<16x512xf32>
    %jit3A_36 = arith.constant 1.000000e+00 : f32
    %broadcast_in_dim3A_37 = vector.broadcast %jit3A_36 : f32 to vector<16x512xf32>
    %select_n3A_38 = arith.select %gt3A_35, %div3A_32, %broadcast_in_dim3A_37 : vector<16x512xi1>, vector<16x512xf32>
    %log3A_39 = math.log %select_n3A_38 : vector<16x512xf32>
    %sub3A_40 = vector.broadcast %select_n3A_14 : vector<16x1xf32> to vector<16x512xf32>
    %sub3A_41 = arith.subf %select_n3A, %sub3A_40 : vector<16x512xf32>
    %sub3A_42 = vector.broadcast %log3A : vector<16x1xf32> to vector<16x512xf32>
    %sub3A_43 = arith.subf %sub3A_41, %sub3A_42 : vector<16x512xf32>
    %mul3A_44 = arith.mulf %div3A_32, %log3A_39 : vector<16x512xf32>
    %mul3A_45 = arith.mulf %div3A_32, %sub3A_43 : vector<16x512xf32>
    %sub3A_46 = arith.subf %mul3A_44, %mul3A_45 : vector<16x512xf32>
    %jit3A_47 = arith.constant 0.000000e+00 : f32
    %broadcast_in_dim3A_48 = vector.broadcast %jit3A_47 : f32 to vector<16x512xf32>
    %select_n3A_49 = arith.select %lt3A_7, %sub3A_46, %broadcast_in_dim3A_48 : vector<16x512xi1>, vector<16x512xf32>
    %reduce_sum3A_50 = vector.shape_cast %select_n3A_49 : vector<16x512xf32> to vector<1x16x512xf32>
    %reduce_sum3A_51 = arith.constant dense<0.000000e+00> : vector<1xf32>
    %reduce_sum3A_52 = vector.multi_reduction <add>, %reduce_sum3A_50, %reduce_sum3A_51 [1, 2] : vector<1x16x512xf32> to vector<1xf32>
    %reduce_sum3A_53 = vector.shape_cast %reduce_sum3A_52 : vector<1xf32> to vector<1x1x1xf32>
    %reduce_sum3A_54 = vector.extract %reduce_sum3A_53[0, 0, 0] : f32 from vector<1x1x1xf32>
    %mul3A_55 = arith.constant 6.250000e-02 : f32
    %mul3A_56 = arith.mulf %reduce_sum3A_54, %mul3A_55 : f32
    %swap3A = arith.constant 0 : index
    %swap3A_57 = arith.constant 0 : index
    %swap3A_58 = memref.load %arg4[%swap3A, %swap3A_57] : memref<1x1xf32, #tpu.memory_space<smem>>
    memref.store %mul3A_56, %arg4[%swap3A, %swap3A_57] : memref<1x1xf32, #tpu.memory_space<smem>>
    return
  }
}

module attributes {stable_mosaic.version = 14 : i64} {
  func.func @_mm_body(%arg0: i32, %arg1: memref<16xi32, #tpu.memory_space<smem>>, %arg2: memref<16x768xf32, #tpu.memory_space<vmem>>, %arg3: memref<2048x768xf32, #tpu.memory_space<vmem>>, %arg4: memref<16x2048xf32, #tpu.memory_space<vmem>>) attributes {dimension_semantics = [#tpu.dimension_semantics<arbitrary>], iteration_bounds = array<i64: 5>, scalar_prefetch = 1 : i64, scratch_operands = 0 : i64, tpu.core_type = #tpu.core_type<tc>, window_params = [{pipeline_mode = #tpu.pipeline_mode<synchronous>, transform_indices = @transform_0, window_bounds = array<i64: 16, 768>}, {transform_indices = @transform_1, window_bounds = array<i64: 2048, 768>}, {transform_indices = @transform_2, window_bounds = array<i64: 16, 2048>}]} {
    %get3A = arith.constant 0 : index
    %get3A_0 = arith.constant 0 : index
    %get3A_1 = vector.load %arg2[%get3A, %get3A_0] : memref<16x768xf32, #tpu.memory_space<vmem>>, vector<16x768xf32>
    %get3A_2 = arith.constant 0 : index
    %get3A_3 = arith.constant 0 : index
    %get3A_4 = vector.load %arg3[%get3A_2, %get3A_3] : memref<2048x768xf32, #tpu.memory_space<vmem>>, vector<2048x768xf32>
    %dot_general3A = arith.constant dense<0.000000e+00> : vector<16x2048xf32>
    %dot_general3A_5 = tpu.matmul %get3A_1, %get3A_4, %dot_general3A {dimension_numbers = #tpu.dot_dimension_numbers<[1], [1], [0], [0], [0, 0, 1, 0], [], []>, transpose_lhs_hint = false} : vector<16x768xf32>, vector<2048x768xf32>, vector<16x2048xf32> -> vector<16x2048xf32>
    %swap3A = arith.constant 0 : index
    %swap3A_6 = arith.constant 0 : index
    %swap3A_7 = vector.load %arg4[%swap3A, %swap3A_6] : memref<16x2048xf32, #tpu.memory_space<vmem>>, vector<16x2048xf32>
    tpu.vector_store %arg4[%swap3A, %swap3A_6], %dot_general3A_5 {strides = array<i32>} : memref<16x2048xf32, #tpu.memory_space<vmem>>, vector<16x2048xf32>,
    return
  }
  func.func @transform_0(%arg0: i32, %arg1: memref<16xi32, #tpu.memory_space<smem>>) -> (i32, i32) {
    %c0_i32 = arith.constant 0 : i32
    %c0_i32_0 = arith.constant 0 : i32
    %c0_i32_1 = arith.constant 0 : i32
    return %c0_i32, %c0_i32_0 : i32, i32
  }
  func.func @transform_1(%arg0: i32, %arg1: memref<16xi32, #tpu.memory_space<smem>>) -> (i32, i32) {
    %get3A = arith.constant 0 : index
    %get3A_0 = memref.load %arg1[%get3A] : memref<16xi32, #tpu.memory_space<smem>>
    %get3A_1 = arith.constant 1 : index
    %get3A_2 = memref.load %arg1[%get3A_1] : memref<16xi32, #tpu.memory_space<smem>>
    %add3A = arith.addi %get3A_0, %get3A_2 : i32
    %get3A_3 = arith.constant 2 : index
    %get3A_4 = memref.load %arg1[%get3A_3] : memref<16xi32, #tpu.memory_space<smem>>
    %add3A_5 = arith.addi %add3A, %get3A_4 : i32
    %get3A_6 = arith.constant 3 : index
    %get3A_7 = memref.load %arg1[%get3A_6] : memref<16xi32, #tpu.memory_space<smem>>
    %add3A_8 = arith.addi %add3A_5, %get3A_7 : i32
    %get3A_9 = arith.constant 4 : index
    %get3A_10 = memref.load %arg1[%get3A_9] : memref<16xi32, #tpu.memory_space<smem>>
    %add3A_11 = arith.addi %add3A_8, %get3A_10 : i32
    %get3A_12 = arith.constant 5 : index
    %get3A_13 = memref.load %arg1[%get3A_12] : memref<16xi32, #tpu.memory_space<smem>>
    %add3A_14 = arith.addi %add3A_11, %get3A_13 : i32
    %get3A_15 = arith.constant 6 : index
    %get3A_16 = memref.load %arg1[%get3A_15] : memref<16xi32, #tpu.memory_space<smem>>
    %add3A_17 = arith.addi %add3A_14, %get3A_16 : i32
    %get3A_18 = arith.constant 7 : index
    %get3A_19 = memref.load %arg1[%get3A_18] : memref<16xi32, #tpu.memory_space<smem>>
    %add3A_20 = arith.addi %add3A_17, %get3A_19 : i32
    %get3A_21 = arith.constant 8 : index
    %get3A_22 = memref.load %arg1[%get3A_21] : memref<16xi32, #tpu.memory_space<smem>>
    %add3A_23 = arith.addi %add3A_20, %get3A_22 : i32
    %get3A_24 = arith.constant 9 : index
    %get3A_25 = memref.load %arg1[%get3A_24] : memref<16xi32, #tpu.memory_space<smem>>
    %add3A_26 = arith.addi %add3A_23, %get3A_25 : i32
    %get3A_27 = arith.constant 10 : index
    %get3A_28 = memref.load %arg1[%get3A_27] : memref<16xi32, #tpu.memory_space<smem>>
    %add3A_29 = arith.addi %add3A_26, %get3A_28 : i32
    %get3A_30 = arith.constant 11 : index
    %get3A_31 = memref.load %arg1[%get3A_30] : memref<16xi32, #tpu.memory_space<smem>>
    %add3A_32 = arith.addi %add3A_29, %get3A_31 : i32
    %get3A_33 = arith.constant 12 : index
    %get3A_34 = memref.load %arg1[%get3A_33] : memref<16xi32, #tpu.memory_space<smem>>
    %add3A_35 = arith.addi %add3A_32, %get3A_34 : i32
    %get3A_36 = arith.constant 13 : index
    %get3A_37 = memref.load %arg1[%get3A_36] : memref<16xi32, #tpu.memory_space<smem>>
    %add3A_38 = arith.addi %add3A_35, %get3A_37 : i32
    %get3A_39 = arith.constant 14 : index
    %get3A_40 = memref.load %arg1[%get3A_39] : memref<16xi32, #tpu.memory_space<smem>>
    %add3A_41 = arith.addi %add3A_38, %get3A_40 : i32
    %get3A_42 = arith.constant 15 : index
    %get3A_43 = memref.load %arg1[%get3A_42] : memref<16xi32, #tpu.memory_space<smem>>
    %add3A_44 = arith.addi %add3A_41, %get3A_43 : i32
    %add3A_45 = arith.constant 2048 : i32
    %add3A_46 = arith.addi %add3A_44, %add3A_45 : i32
    %sub3A = arith.constant 1 : i32
    %sub3A_47 = arith.subi %add3A_46, %sub3A : i32
    %jit3A = arith.constant 2048 : i32
    %div3A = arith.divsi %sub3A_47, %jit3A : i32
    %sign3A = arith.constant 0 : i32
    %sign3A_48 = arith.cmpi sgt, %sub3A_47, %sign3A : i32
    %sign3A_49 = arith.extui %sign3A_48 : i1 to i32
    %sign3A_50 = arith.constant 0 : i32
    %sign3A_51 = arith.cmpi slt, %sub3A_47, %sign3A_50 : i32
    %sign3A_52 = arith.extui %sign3A_51 : i1 to i32
    %sign3A_53 = arith.subi %sign3A_49, %sign3A_52 : i32
    %sign3A_54 = arith.constant 0 : i32
    %sign3A_55 = arith.cmpi sgt, %jit3A, %sign3A_54 : i32
    %sign3A_56 = arith.extui %sign3A_55 : i1 to i32
    %sign3A_57 = arith.constant 0 : i32
    %sign3A_58 = arith.cmpi slt, %jit3A, %sign3A_57 : i32
    %sign3A_59 = arith.extui %sign3A_58 : i1 to i32
    %sign3A_60 = arith.subi %sign3A_56, %sign3A_59 : i32
    %ne3A = arith.cmpi ne, %sign3A_53, %sign3A_60 : i32
    %rem3A = arith.remsi %sub3A_47, %jit3A : i32
    %ne3A_61 = arith.constant 0 : i32
    %ne3A_62 = arith.cmpi ne, %rem3A, %ne3A_61 : i32
    %and3A = arith.andi %ne3A, %ne3A_62 : i1
    %sub3A_63 = arith.constant 1 : i32
    %sub3A_64 = arith.subi %div3A, %sub3A_63 : i32
    %select_n3A = arith.select %and3A, %sub3A_64, %div3A : i32
    %sub3A_65 = arith.constant 1 : i32
    %sub3A_66 = arith.subi %select_n3A, %sub3A_65 : i32
    %max3A = arith.constant 0 : i32
    %max3A_67 = arith.maxsi %sub3A_66, %max3A : i32
    %min3A = arith.minsi %arg0, %max3A_67 : i32
    %c0_i32 = arith.constant 0 : i32
    %c0_i32_68 = arith.constant 0 : i32
    return %min3A, %c0_i32 : i32, i32
  }
  func.func @transform_2(%arg0: i32, %arg1: memref<16xi32, #tpu.memory_space<smem>>) -> (i32, i32) {
    %get3A = arith.constant 0 : index
    %get3A_0 = memref.load %arg1[%get3A] : memref<16xi32, #tpu.memory_space<smem>>
    %get3A_1 = arith.constant 1 : index
    %get3A_2 = memref.load %arg1[%get3A_1] : memref<16xi32, #tpu.memory_space<smem>>
    %add3A = arith.addi %get3A_0, %get3A_2 : i32
    %get3A_3 = arith.constant 2 : index
    %get3A_4 = memref.load %arg1[%get3A_3] : memref<16xi32, #tpu.memory_space<smem>>
    %add3A_5 = arith.addi %add3A, %get3A_4 : i32
    %get3A_6 = arith.constant 3 : index
    %get3A_7 = memref.load %arg1[%get3A_6] : memref<16xi32, #tpu.memory_space<smem>>
    %add3A_8 = arith.addi %add3A_5, %get3A_7 : i32
    %get3A_9 = arith.constant 4 : index
    %get3A_10 = memref.load %arg1[%get3A_9] : memref<16xi32, #tpu.memory_space<smem>>
    %add3A_11 = arith.addi %add3A_8, %get3A_10 : i32
    %get3A_12 = arith.constant 5 : index
    %get3A_13 = memref.load %arg1[%get3A_12] : memref<16xi32, #tpu.memory_space<smem>>
    %add3A_14 = arith.addi %add3A_11, %get3A_13 : i32
    %get3A_15 = arith.constant 6 : index
    %get3A_16 = memref.load %arg1[%get3A_15] : memref<16xi32, #tpu.memory_space<smem>>
    %add3A_17 = arith.addi %add3A_14, %get3A_16 : i32
    %get3A_18 = arith.constant 7 : index
    %get3A_19 = memref.load %arg1[%get3A_18] : memref<16xi32, #tpu.memory_space<smem>>
    %add3A_20 = arith.addi %add3A_17, %get3A_19 : i32
    %get3A_21 = arith.constant 8 : index
    %get3A_22 = memref.load %arg1[%get3A_21] : memref<16xi32, #tpu.memory_space<smem>>
    %add3A_23 = arith.addi %add3A_20, %get3A_22 : i32
    %get3A_24 = arith.constant 9 : index
    %get3A_25 = memref.load %arg1[%get3A_24] : memref<16xi32, #tpu.memory_space<smem>>
    %add3A_26 = arith.addi %add3A_23, %get3A_25 : i32
    %get3A_27 = arith.constant 10 : index
    %get3A_28 = memref.load %arg1[%get3A_27] : memref<16xi32, #tpu.memory_space<smem>>
    %add3A_29 = arith.addi %add3A_26, %get3A_28 : i32
    %get3A_30 = arith.constant 11 : index
    %get3A_31 = memref.load %arg1[%get3A_30] : memref<16xi32, #tpu.memory_space<smem>>
    %add3A_32 = arith.addi %add3A_29, %get3A_31 : i32
    %get3A_33 = arith.constant 12 : index
    %get3A_34 = memref.load %arg1[%get3A_33] : memref<16xi32, #tpu.memory_space<smem>>
    %add3A_35 = arith.addi %add3A_32, %get3A_34 : i32
    %get3A_36 = arith.constant 13 : index
    %get3A_37 = memref.load %arg1[%get3A_36] : memref<16xi32, #tpu.memory_space<smem>>
    %add3A_38 = arith.addi %add3A_35, %get3A_37 : i32
    %get3A_39 = arith.constant 14 : index
    %get3A_40 = memref.load %arg1[%get3A_39] : memref<16xi32, #tpu.memory_space<smem>>
    %add3A_41 = arith.addi %add3A_38, %get3A_40 : i32
    %get3A_42 = arith.constant 15 : index
    %get3A_43 = memref.load %arg1[%get3A_42] : memref<16xi32, #tpu.memory_space<smem>>
    %add3A_44 = arith.addi %add3A_41, %get3A_43 : i32
    %add3A_45 = arith.constant 2048 : i32
    %add3A_46 = arith.addi %add3A_44, %add3A_45 : i32
    %sub3A = arith.constant 1 : i32
    %sub3A_47 = arith.subi %add3A_46, %sub3A : i32
    %jit3A = arith.constant 2048 : i32
    %div3A = arith.divsi %sub3A_47, %jit3A : i32
    %sign3A = arith.constant 0 : i32
    %sign3A_48 = arith.cmpi sgt, %sub3A_47, %sign3A : i32
    %sign3A_49 = arith.extui %sign3A_48 : i1 to i32
    %sign3A_50 = arith.constant 0 : i32
    %sign3A_51 = arith.cmpi slt, %sub3A_47, %sign3A_50 : i32
    %sign3A_52 = arith.extui %sign3A_51 : i1 to i32
    %sign3A_53 = arith.subi %sign3A_49, %sign3A_52 : i32
    %sign3A_54 = arith.constant 0 : i32
    %sign3A_55 = arith.cmpi sgt, %jit3A, %sign3A_54 : i32
    %sign3A_56 = arith.extui %sign3A_55 : i1 to i32
    %sign3A_57 = arith.constant 0 : i32
    %sign3A_58 = arith.cmpi slt, %jit3A, %sign3A_57 : i32
    %sign3A_59 = arith.extui %sign3A_58 : i1 to i32
    %sign3A_60 = arith.subi %sign3A_56, %sign3A_59 : i32
    %ne3A = arith.cmpi ne, %sign3A_53, %sign3A_60 : i32
    %rem3A = arith.remsi %sub3A_47, %jit3A : i32
    %ne3A_61 = arith.constant 0 : i32
    %ne3A_62 = arith.cmpi ne, %rem3A, %ne3A_61 : i32
    %and3A = arith.andi %ne3A, %ne3A_62 : i1
    %sub3A_63 = arith.constant 1 : i32
    %sub3A_64 = arith.subi %div3A, %sub3A_63 : i32
    %select_n3A = arith.select %and3A, %sub3A_64, %div3A : i32
    %sub3A_65 = arith.constant 1 : i32
    %sub3A_66 = arith.subi %select_n3A, %sub3A_65 : i32
    %max3A = arith.constant 0 : i32
    %max3A_67 = arith.maxsi %sub3A_66, %max3A : i32
    %min3A = arith.minsi %arg0, %max3A_67 : i32
    %c0_i32 = arith.constant 0 : i32
    %c0_i32_68 = arith.constant 0 : i32
    return %c0_i32, %min3A : i32, i32
  }
}

</mosaic_0001>

<sc_bundles>
// kernel: kernel.5.cloned.1.call-start
scs
__scs_entry_jumppad:
0x0: {  	(pc) =	sbr.rel $0x88, $3  }
0x1: {  	(tag) =	ssettag $0x0;
	lr =	simm.s32 $0x1  }
0x2: {  	[smem:$0x3F9D] =	sst lr;
	_ =	strace $0xD0000000  }
0x3: {  	_ = 	snop  }
0x4: {  	_ = 	snop  }
0x5: {  	_ = 	snop  }
0x6: {  	_ = 	snop  }
0x7: {  	_ = 	snop  }
__scs_overlays_trampoline_lowered:
0x8: {  	[smem:$0x3FAC] =	sst s0  }
0x9: {  	[smem:$0x3FAD] =	sst s1  }
0xa: {  	[smem:$0x3FAE] =	sst s2  }
0xb: {  	[smem:$0x3FAF] =	sst s3  }
0xc: {  	[smem:$0x3FB0] =	sst s4  }
0xd: {  	[smem:$0x3FB1] =	sst s5  }
0xe: {  	[smem:$0x3FB2] =	sst s6  }
0xf: {  	[smem:$0x3FB3] =	sst s7  }
0x10: {  	[smem:$0x3FB4] =	sst s8  }
0x11: {  	[smem:$0x3FB5] =	sst s9;
	s0 =	simm.s32 @!p0 $0x0  }
0x12: {  	s1 =	sld [smem:$0x3F9B];
	s0 =	simm.s32 @p0 $0x1  }
0x13: {  	[smem:$0x3FB6] =	sst s0;
	s0 =	simm.s32 @!p1 $0x0  }
0x14: {  	s2 =	sld [smem:$0x3F9A];
	s0 =	simm.s32 @p1 $0x1  }
0x15: {  	[smem:$0x3FB7] =	sst s0;
	s0 =	simm.s32 @!p2 $0x0  }
0x16: {  	s3 =	sld [smem:$0x3FDB];
	s0 =	simm.s32 @p2 $0x1  }
0x17: {  	s4 =	simm.s32 $0x1BF5;
	[smem:$0x3FB9] =	sst s0  }
0x18: {  	s0 =	sld [smem:$0x3F9C];
	_ =	swait.ge [sflag:s4], $0x0  }
0x19: {  	s7 =	sld [smem:$0x3F9D]  }
0x1a: {  	s8 =	sadd.s32 $0xFFFFE003, lr  }
0x1b: {  	s9 =	sadd.s32 $0xFFFFFEF7, lr;
	s5 =	simm.s32 $0xFFFFFFFF;
	p2 =	slt.u32 s8, $0xFFFFF086  }
0x1c: {  	p1 =	slt.u32 s9, $0xF7A;
	s5 =	simm.s32 @!p2 $0x0  }
0x1d: {  	s5 =	simm.s32 @p1 $0x1;
	p0 =	seq.s32 s7, s2  }
0x1e: {  	s7 =	smul.u32 @!p0 $0xF7A, s2;
	p2 =	seq.s32 @!p0 s5, $0x0  }
0x1f: {  	s9 =	smul.u32 $0xF7A, s1;
	s8 =	simm.s32 @!p0 $0x1BF5;
	p2 =	por !p2, p0  }
0x20: {  	[sflag:s8] =	ssyncset.s32 @!p0 $0xFFFFF086;
	s6 =	sadd.s32 @!p0 s3, s7;
	s7 =	simm.s32 @!p0 $0x108  }
0x21: {  	s3 =	sadd.s32 s3, s9;
	s6 =	sadd.s32 @!p0 $0x88, s6;
	s7 =	simm.s32 @p2 $0x1082  }
0x22: {  	[simem:s7], [sflag:s8] =	dma.local @!p0 [hbm:s6], $0xF7A  }
0x23: {  	s9 =	sor.u32 $0xD0000000, s2;
	s6 =	simm.s32 $0x108;
	_ =	swait.ge @!p0 [sflag:s8], $0x0  }
0x24: {  	s3 =	sadd.s32 $0x88, s3;
	s6 =	simm.s32 @!p1 $0x1082;
	[sflag:s4] =	ssyncset.s32 $0xFFFFF086  }
0x25: {  	[simem:s6], [sflag:s4] =	dma.local [hbm:s3], $0xF7A  }
0x26: {  	[smem:$0x3F9D] =	sst s1;
	(tag) =	ssettag s2;
	_ =	strace s9  }
0x27: {  	s1 =	sld [smem:$0x3FAD]  }
0x28: {  	s2 =	sld [smem:$0x3FAE]  }
0x29: {  	s4 =	sld [smem:$0x3FB0]  }
0x2a: {  	p0 =	seq.s32 s5, $0x0;
	s5 =	sld [smem:$0x3FB1]  }
0x2b: {  	s6 =	sld [smem:$0x3FB2]  }
0x2c: {  	s7 =	sld [smem:$0x3FB3]  }
0x2d: {  	s3 =	simm.s32 $0x108;
	s8 =	sld [smem:$0x3FB4]  }
0x2e: {  	s3 =	simm.s32 @!p0 $0x1082;
	s9 =	sld [smem:$0x3FB5]  }
0x2f: {  	lr =	sadd.s32 s0, s3;
	s0 =	sld [smem:$0x3FAC]  }
0x30: {  	s3 =	sld [smem:$0x3FAF]  }
0x31: {  	[smem:$0x3FB8] =	sst s10  }
0x32: {  	s10 =	sld [smem:$0x3FB6];
	_ =	sdelay $0x3  }
0x33: {  	p0 =	seq.s32 s10, $0x1;
	s10 =	sld [smem:$0x3FB8];
	_ =	sdelay $0x3  }
0x34: {  	[smem:$0x3FB8] =	sst s10  }
0x35: {  	s10 =	sld [smem:$0x3FB7];
	_ =	sdelay $0x3  }
0x36: {  	p1 =	seq.s32 s10, $0x1;
	s10 =	sld [smem:$0x3FB8];
	_ =	sdelay $0x3  }
0x37: {  	[smem:$0x3FB8] =	sst s10  }
0x38: {  	s10 =	sld [smem:$0x3FB9]  }
0x39: {  	_ = 	snop;
	(pc) =	sbr.ind lr, $3  }
0x3a: {  	_ = 	snop  }
0x3b: {  	_ = 	snop  }
0x3c: {  	p2 =	seq.s32 s10, $0x1;
	s10 =	sld [smem:$0x3FB8]  }
0x3d: {  	_ =	shalt  }
0x3e: {  	_ =	shalt  }
0x3f: {  	_ =	shalt  }
0x40: {  	_ =	shalt  }
0x41: {  	_ =	shalt  }
0x42: {  	_ =	shalt  }
0x43: {  	_ =	shalt  }
0x44: {  	_ =	shalt  }
0x45: {  	_ =	shalt  }
0x46: {  	_ =	shalt  }
0x47: {  	_ =	shalt  }
0x48: {  	_ =	shalt  }
0x49: {  	_ =	shalt  }
0x4a: {  	_ =	shalt  }
0x4b: {  	_ =	shalt  }
0x4c: {  	_ =	shalt  }
0x4d: {  	_ =	shalt  }
0x4e: {  	_ =	shalt  }
0x4f: {  	_ =	shalt  }
0x50: {  	_ =	shalt  }
0x51: {  	_ =	shalt  }
0x52: {  	_ =	shalt  }
0x53: {  	_ =	shalt  }
0x54: {  	_ =	shalt  }
0x55: {  	_ =	shalt  }
0x56: {  	_ =	shalt  }
0x57: {  	_ =	shalt  }
0x58: {  	_ =	shalt  }
0x59: {  	_ =	shalt  }
0x5a: {  	_ =	shalt  }
0x5b: {  	_ =	shalt  }
0x5c: {  	_ =	shalt  }
0x5d: {  	_ =	shalt  }
0x5e: {  	_ =	shalt  }
0x5f: {  	_ =	shalt  }
0x60: {  	_ =	shalt  }
0x61: {  	_ =	shalt  }
0x62: {  	_ =	shalt  }
0x63: {  	_ =	shalt  }
0x64: {  	_ =	shalt  }
0x65: {  	_ =	shalt  }
0x66: {  	_ =	shalt  }
0x67: {  	_ =	shalt  }
0x68: {  	_ =	shalt  }
0x69: {  	_ =	shalt  }
0x6a: {  	_ =	shalt  }
0x6b: {  	_ =	shalt  }
0x6c: {  	_ =	shalt  }
0x6d: {  	_ =	shalt  }
0x6e: {  	_ =	shalt  }
0x6f: {  	_ =	shalt  }
0x70: {  	_ =	shalt  }
0x71: {  	_ =	shalt  }
0x72: {  	_ =	shalt  }
0x73: {  	_ =	shalt  }
0x74: {  	_ =	shalt  }
0x75: {  	_ =	shalt  }
0x76: {  	_ =	shalt  }
0x77: {  	_ =	shalt  }
0x78: {  	_ =	shalt  }
0x79: {  	_ =	shalt  }
0x7a: {  	_ =	shalt  }
0x7b: {  	_ =	shalt  }
0x7c: {  	_ =	shalt  }
0x7d: {  	_ =	shalt  }
0x7e: {  	_ =	shalt  }
0x7f: {  	_ =	shalt  }
0x80: {  	_ =	shalt  }
0x81: {  	_ =	shalt  }
0x82: {  	_ =	shalt  }
0x83: {  	_ =	shalt  }
0x84: {  	_ =	shalt  }
0x85: {  	_ =	shalt  }
0x86: {  	_ =	shalt  }
0x87: {  	_ =	shalt  }
.Lfunc_end0:
.L_simem_size_0:
called_computation_lowered:
.L_overlay_start_0:
0x88: {  	s2 =	sld [smem:$0x3FD9]  }
0x89: {  	s3 =	sld [smem:$0x3FFE];
	_ =	sdelay $0x1  }
0x8a: {  	s1 =	srdreg.scid  }
0x8b: {  	s0 =	sand.u32 $0x1, s1  }
0x8c: {  	s17 =	sshll.u32 s0, $0xA;
	s2 =	sadd.s32 s3, s2  }
0x8d: {  	s2 =	sadd.s32 s2, s17  }
0x8e: {  	[smem:$0x3FC4] =	sst s2  }
0x8f: {  	_ = 	snop  }
0x90: {  	s2 =	sld [smem:$0x3FC6];
	(tm) =	ssettm $0x1  }
0x91: {  	s18 =	sld [smem:$0x3FFB];
	_ =	sdelay $0x3  }
0x92: {  	_ =	strace s18  }
0x93: {  	s3 =	sld [smem:$0x3FFC];
	_ =	sdelay $0x3  }
0x94: {  	_ =	strace s3  }
0x95: {  	s3 =	sld [smem:$0x3FFD];
	_ =	sdelay $0x3  }
0x96: {  	_ =	strace s3  }
0x97: {  	_ =	strace $0x8FFFFFFF  }
0x98: {  	s19 =	sld [smem:$0x3FDB];
	_ =	sdelay $0x1  }
0x99: {  	s4 =	simm.s32 $_scs_section_size  }
0x9a: {  	s5 =	simm.s32 $_size__tile_overlayer_lowered;
	s6 =	simm.s32 $_tile_overlayer_lowered  }
0x9b: {  	s22 =	simm.s32 $0x1BFF;
	s21 =	sshll.u32 s6, $0x1;
	s3 =	sadd.s32 s4, s19  }
0x9c: {  	s7 =	simm.s32 $0x0;
	s20 =	sshll.u32 s5, $0x1;
	s5 =	sadd.s32 s21, s3  }
0x9d: {  	[timem:s7], [sflag:s22] =	dma.local [hbm:s5], s20  }
0x9e: {  	_ =	swait.ge [sflag:s22], s20  }
0x9f: {  	s4 =	ssub.s32 $0x0, s20;
	[sflag:s22] =	ssyncset.done $0x0  }
0xa0: {  	[sflag:s22] =	ssyncadd.s32 s4;
	_ =	sdelay $0x1  }
0xa1: {  	s23 =	simm.s32 $0x1B8B  }
0xa2: {  	_ =	swait.ge [sflag:s23], $0x1  }
0xa3: {  	[sflag:s23] =	ssyncset.done $0x0  }
0xa4: {  	s25 =	simm.s32 $0x1B8E;
	s24 =	sld [smem:$0x3FFE];
	[sflag:s23] =	ssyncadd.s32 $0xFFFFFFFF  }
0xa5: {  	s26 =	simm.s32 $execute0_lowered;
	[smem:$0x3FD2] =	sst s25  }
0xa6: {  	s5 =	sshll.u32 s26, $0x1;
	_ =	strace $0x80000046;
	[dreg:$0x1] =	wrdreg $0xFFFFFFFF  }
0xa7: {  	s28 =	simm.s32 $_size_execute0_lowered;
	s3 =	sadd.s32 s3, s5;
	[dreg:$0x0] =	wrdreg $0x0  }
0xa8: {  	s5 =	sshll.u32 s28, $0x1;
	[dreg:$0x2] =	wrdreg s3  }
0xa9: {  	[dreg:$0x3] =	wrdreg s5  }
0xaa: {  	[dreg:$0x4] =	wrdreg $0xC0  }
0xab: {  	_ =	task [dreg:s7], $0x5FFFF  }
0xac: {  	[dreg:$0x1] =	wrdreg $0xFFFFFFFF  }
0xad: {  	[dreg:$0x0] =	wrdreg $0x60  }
0xae: {  	[dreg:$0x2] =	wrdreg s24  }
0xaf: {  	[dreg:$0x3] =	wrdreg s2  }
0xb0: {  	[dreg:$0x4] =	wrdreg $0x9  }
0xb1: {  	_ =	task.clear_ibuf [dreg:s7], $0x5FFFF;
	_ =	strace $0x90000046  }
0xb2: {  	s29 =	simm.s32 $0x9;
	_ =	strace $0x80000048  }
0xb3: {  	_ =	swait.ge [sflag:s29], $0x1  }
0xb4: {  	[sflag:s29] =	ssyncadd.s32 $0xFFFFFFFF  }
0xb5: {  	_ =	strace $0x90000048  }
0xb6: {  	_ =	sfence  }
0xb7: {  	s30 =	sld [smem:$0x0];
	_ =	sdelay $0x2  }
0xb8: {  	s31 =	sshll.u32 s1, $0xD;
	s1 =	sshrl.u32 s1, $0x2  }
0xb9: {  	s3 =	sand.u32 $0x4000, s31;
	s1 =	sadd.s32 s1, s30  }
0xba: {  	s0 =	sor.u32 s3, s0;
	s1 =	sshll.u32 s1, $0x11  }
0xbb: {  	s0 =	sor.u32 s1, s0  }
0xbc: {  	s0 =	sadd.s32 $0x8F2B, s0  }
0xbd: {  	[sflag:s0] =	ssyncadd.remote.s32 $0x1  }
0xbe: {  	_ =	sfence.sel $0xFFFF  }
0xbf: {  	[dreg:$0x0] =	wrdreg $0xFFFFFFFF;
	(pc) =	sbr.abs _section_cstart, $3  }
0xc0: {  	[dreg:$0x1] =	wrdreg $0xFFFFFFFF  }
0xc1: {  	_ =	task.clear_ibuf [dreg:s7], $0x2FFFF;
	_ =	strace $0x9FFFFFFF  }
0xc2: {  	(tm) =	ssettm $0x7FFFFFFF  }
0xc3: {  	_ =	shalt  }
tec
execute0_lowered:
.L_overlay_start_1:
0x0: {  	(tag) =	ssettag $0x1  }
0x1: {  	s4 =	srdreg.scid  }
0x2: {  	s4 =	sand.u32 $0x1, s4  }
0x3: {  	s3 =	rddreg [dreg:$0x0];
	s5 =	sshll.u32 s4, $0x8;
	s4 =	ssub.s32 $0x2, s4  }
0x4: {  	s0 =	rddreg [dreg:$0x1];
	s2 =	simm.s32 $0x0;
	s9 =	sshrl.u32 s4, $0x1  }
0x5: {  	s1 =	stileid.u32;
	[dreg:$0x3] =	wrdreg s0;
	s30 =	ssub.s32 s4, s9  }
0x6: {  	p0 =	por $0x0, $0x0;
	s0 =	rddreg [dreg:$0x2];
	s31 =	smax.u32 s30, $0x1  }
0x7: {  	[smem:$0x7FF] =	sst s2;
	s8 =	smul.u32 $0x2800, s1;
	p1 =	sne.s32 s31, $0x1  }
.Ltmp0:
0x8: {  	s6 =	sshll.u32 s1, $0x9;
	s7 =	sadd.s32 $0xC00, s3;
	(pc) =	sbr.rel @!p1 .LBB2_3-.Ltmp0, $4  }
0x9: {  	_ =	strace $0x80000047;
	s6 =	sor.u32 s5, s6;
	s5 =	sor.u32 s8, s5  }
0xa: {  	s6 =	sshrl.u32 s6, $0x3;
	[dreg:$0x4] =	wrdreg s5;
	s5 =	simm.s32 $0x200  }
0xb: {  	v0 =	vlaneseq.u32;
	v1 =	vmov s1;
	s9 =	rddreg [dreg:$0x3];
	s3 =	sadd.s32 s6, s3;
	s6 =	simm.s32 $0x80  }
0xc: {  	vm0 =	veq.s32 v1, v0;
	s4 =	sadd.s32 $0x5C00, s3;
	s3 =	simm.s32 $0x1;
	s8 =	sadd.s32 $0xFFFFFFFF, s31  }
0xd: {  	[tilespmem:s2], [sflag:$0x1] =	stream.linear.gather [hbm4b:s9+s2], $0x80, $0x38;
	[tilespmem:$0x300] =	vst v63  }
0xe: {  	_ =	swait.ge [sflag:s3], $0x80  }
0xf: {  	[sflag:s3] =	ssyncset.done $0x0  }
0x10: {  	[sflag:s3] =	ssyncadd.s32 $0xFFFFFF80  }
0x11: {  	v1 =	vld [tilespmem:$0x0];
	_ =	sdelay $0x4  }
0x12: {  	(xrf0) =	vadd.scan.msk.s32 $0xffff, v1;
	_ =	sdelay $0x5  }
0x13: {  	v2, _, _ =	vpop (xrf0)  }
0x14: {  	v1 =	vsub.s32 v2, v1  }
0x15: {  	v1 =	vnsel vm0, $0x0, v1  }
0x16: {  	(xrf0) =	vadd.scan.msk.s32 $0xffff, v1;
	_ =	sdelay $0x5  }
0x17: {  	v1, _, _ =	vpop (xrf0)  }
0x18: {  	(v2sf) =	vpush v1, $0xF;
	_ =	sdelay $0xe  }
0x19: {  	s15 =	rddreg [dreg:$0x4];
	s10 =	spop (v2sf)  }
0x1a: {  	s9 =	sadd.s32 s10, s15;
	s10 =	sand.u32 $0xF, s10  }
0x1b: {  	s11 =	sshra.s32 s9, $0x1F;
	p0 =	slt.s32 s9, $0x1;
	p1 =	sne.s32 s10, $0x0  }
0x1c: {  	s16 =	sshrl.u32 s11, $0x1C;
	p0 =	por !p1, !p0  }
0x1d: {  	s11 =	simm.s32 $0x1;
	s10 =	sadd.s32 s16, s9;
	p0 =	por !p0, !p0  }
0x1e: {  	s10 =	sshrl.u32 s10, $0x4;
	s11 =	simm.s32 @!p0 $0x0  }
0x1f: {  	s10 =	ssub.s32 s10, s11  }
0x20: {  	s10 =	sshll.u32 s10, $0x4  }
0x21: {  	s9 =	ssub.s32 s9, s10;
	s10 =	sshrl.u32 s10, $0x3  }
0x22: {  	s10 =	sadd.s32 s7, s10;
	v1 =	vadd.s32 s9, v0  }
0x23: {  	[tilespmem:s6], [sflag:$0x1] =	stream.linear.gather [hbm4b:s10+s2], $0x110, $0x38;
	[tilespmem:$0x300] =	vst v63  }
0x24: {  	_ =	swait.ge [sflag:s3], $0x110  }
0x25: {  	[sflag:s3] =	ssyncset.done $0x0  }
0x26: {  	[sflag:s3] =	ssyncadd.s32 $0xFFFFFEF0  }
0x27: {  	s17 =	sadd.s32 $0x10, s9;
	v1 =	vld.idx.msk [tilespmem:v1+s6+$0x0], $0xffff  }
0x28: {  	v2 =	vadd.s32 s17, v0;
	_ =	sdelay $0x3  }
0x29: {  	[tilespmem:$0x200] =	vst v1  }
0x2a: {  	s18 =	sadd.s32 $0x20, s9;
	v1 =	vld.idx.msk [tilespmem:v2+s6+$0x0], $0xffff  }
0x2b: {  	v2 =	vadd.s32 s18, v0;
	_ =	sdelay $0x3  }
0x2c: {  	[tilespmem:$0x210] =	vst v1  }
0x2d: {  	s19 =	sadd.s32 $0x30, s9;
	v1 =	vld.idx.msk [tilespmem:v2+s6+$0x0], $0xffff  }
0x2e: {  	v2 =	vadd.s32 s19, v0;
	_ =	sdelay $0x3  }
0x2f: {  	[tilespmem:$0x220] =	vst v1  }
0x30: {  	s20 =	sadd.s32 $0x40, s9;
	v1 =	vld.idx.msk [tilespmem:v2+s6+$0x0], $0xffff  }
0x31: {  	v2 =	vadd.s32 s20, v0;
	_ =	sdelay $0x3  }
0x32: {  	[tilespmem:$0x230] =	vst v1  }
0x33: {  	s21 =	sadd.s32 $0x50, s9;
	v1 =	vld.idx.msk [tilespmem:v2+s6+$0x0], $0xffff  }
0x34: {  	v2 =	vadd.s32 s21, v0;
	_ =	sdelay $0x3  }
0x35: {  	[tilespmem:$0x240] =	vst v1  }
0x36: {  	s22 =	sadd.s32 $0x60, s9;
	v1 =	vld.idx.msk [tilespmem:v2+s6+$0x0], $0xffff  }
0x37: {  	v2 =	vadd.s32 s22, v0;
	_ =	sdelay $0x3  }
0x38: {  	[tilespmem:$0x250] =	vst v1  }
0x39: {  	s23 =	sadd.s32 $0x70, s9;
	v1 =	vld.idx.msk [tilespmem:v2+s6+$0x0], $0xffff  }
0x3a: {  	v2 =	vadd.s32 s23, v0;
	_ =	sdelay $0x3  }
0x3b: {  	[tilespmem:$0x260] =	vst v1  }
0x3c: {  	s24 =	sadd.s32 $0x80, s9;
	v1 =	vld.idx.msk [tilespmem:v2+s6+$0x0], $0xffff  }
0x3d: {  	v2 =	vadd.s32 s24, v0;
	_ =	sdelay $0x3  }
0x3e: {  	[tilespmem:$0x270] =	vst v1  }
0x3f: {  	s25 =	sadd.s32 $0x90, s9;
	v1 =	vld.idx.msk [tilespmem:v2+s6+$0x0], $0xffff  }
0x40: {  	v2 =	vadd.s32 s25, v0;
	_ =	sdelay $0x3  }
0x41: {  	[tilespmem:$0x280] =	vst v1  }
0x42: {  	s26 =	sadd.s32 $0xA0, s9;
	v1 =	vld.idx.msk [tilespmem:v2+s6+$0x0], $0xffff  }
0x43: {  	v2 =	vadd.s32 s26, v0;
	_ =	sdelay $0x3  }
0x44: {  	[tilespmem:$0x290] =	vst v1  }
0x45: {  	s28 =	sadd.s32 $0xB0, s9;
	v1 =	vld.idx.msk [tilespmem:v2+s6+$0x0], $0xffff  }
0x46: {  	v2 =	vadd.s32 s28, v0;
	_ =	sdelay $0x3  }
0x47: {  	[tilespmem:$0x2A0] =	vst v1  }
0x48: {  	s29 =	sadd.s32 $0xC0, s9;
	v1 =	vld.idx.msk [tilespmem:v2+s6+$0x0], $0xffff  }
0x49: {  	v2 =	vadd.s32 s29, v0;
	_ =	sdelay $0x3  }
0x4a: {  	[tilespmem:$0x2B0] =	vst v1  }
0x4b: {  	s30 =	sadd.s32 $0xD0, s9;
	v1 =	vld.idx.msk [tilespmem:v2+s6+$0x0], $0xffff  }
0x4c: {  	v2 =	vadd.s32 s30, v0;
	_ =	sdelay $0x3  }
0x4d: {  	[tilespmem:$0x2C0] =	vst v1  }
0x4e: {  	s31 =	sadd.s32 $0xE0, s9;
	v1 =	vld.idx.msk [tilespmem:v2+s6+$0x0], $0xffff  }
0x4f: {  	v2 =	vadd.s32 s31, v0;
	_ =	sdelay $0x3  }
0x50: {  	[tilespmem:$0x2D0] =	vst v1  }
0x51: {  	s9 =	sadd.s32 $0xF0, s9;
	v1 =	vld.idx.msk [tilespmem:v2+s6+$0x0], $0xffff  }
0x52: {  	v2 =	vadd.s32 s9, v0;
	_ =	sdelay $0x3  }
0x53: {  	[tilespmem:$0x2E0] =	vst v1  }
0x54: {  	v1 =	vld.idx.msk [tilespmem:v2+s6+$0x0], $0xffff;
	_ =	sdelay $0x2  }
0x55: {  	p1 =	sne.s32 s8, $0x1  }
.Ltmp1:
0x56: {  	_ = 	snop;
	(pc) =	sbr.rel @!p1 .LBB2_3-.Ltmp1, $4  }
0x57: {  	[tilespmem:$0x2F0] =	vst v1  }
0x58: {  	[hbm4b:s4+s2] =	stream.linear.scatter [tilespmem:s5], [sflag:$0x1], $0x100, $0x38;
	[tilespmem:$0x300] =	vst v63  }
0x59: {  	s8 =	sadd.s32 $0xFFFFFFFF, s8;
	_ =	swait.ge [sflag:s3], $0x100  }
0x5a: {  	p0 =	por $0x1, $0x1;
	s9 =	rddreg [dreg:$0x3];
	[sflag:s3] =	ssyncset.done $0x0  }
.LBB2_2:
0x5b: {  	[sflag:s3] =	ssyncadd.s32 $0xFFFFFF00  }
0x5c: {  	[tilespmem:s2], [sflag:$0x1] =	stream.linear.gather [hbm4b:s9+s2], $0x80, $0x38;
	[tilespmem:$0x300] =	vst v63  }
0x5d: {  	_ =	swait.ge [sflag:s3], $0x80  }
0x5e: {  	[sflag:s3] =	ssyncset.done $0x0  }
0x5f: {  	[sflag:s3] =	ssyncadd.s32 $0xFFFFFF80  }
0x60: {  	v1 =	vld [tilespmem:$0x0];
	_ =	sdelay $0x4  }
0x61: {  	(xrf0) =	vadd.scan.msk.s32 $0xffff, v1;
	_ =	sdelay $0x5  }
0x62: {  	v2, _, _ =	vpop (xrf0)  }
0x63: {  	v1 =	vsub.s32 v2, v1  }
0x64: {  	v1 =	vnsel vm0, $0x0, v1  }
0x65: {  	(xrf0) =	vadd.scan.msk.s32 $0xffff, v1;
	_ =	sdelay $0x5  }
0x66: {  	v1, _, _ =	vpop (xrf0)  }
0x67: {  	(v2sf) =	vpush v1, $0xF;
	_ =	sdelay $0xe  }
0x68: {  	s28 =	rddreg [dreg:$0x4];
	s10 =	spop (v2sf)  }
0x69: {  	s9 =	sadd.s32 s10, s28;
	s10 =	sand.u32 $0xF, s10  }
0x6a: {  	s11 =	sshra.s32 s9, $0x1F;
	p2 =	slt.s32 s9, $0x1;
	p3 =	sne.s32 s10, $0x0  }
0x6b: {  	s29 =	sshrl.u32 s11, $0x1C;
	p2 =	por !p3, !p2  }
0x6c: {  	s11 =	simm.s32 $0x1;
	s10 =	sadd.s32 s29, s9;
	p2 =	por !p2, !p2  }
0x6d: {  	s10 =	sshrl.u32 s10, $0x4;
	s11 =	simm.s32 @!p2 $0x0  }
0x6e: {  	s10 =	ssub.s32 s10, s11  }
0x6f: {  	s10 =	sshll.u32 s10, $0x4  }
0x70: {  	s9 =	ssub.s32 s9, s10;
	s10 =	sshrl.u32 s10, $0x3  }
0x71: {  	s10 =	sadd.s32 s7, s10;
	v1 =	vadd.s32 s9, v0  }
0x72: {  	[tilespmem:s6], [sflag:$0x1] =	stream.linear.gather [hbm4b:s10+s2], $0x110, $0x38;
	[tilespmem:$0x300] =	vst v63  }
0x73: {  	_ =	swait.ge [sflag:s3], $0x110  }
0x74: {  	[sflag:s3] =	ssyncset.done $0x0  }
0x75: {  	[sflag:s3] =	ssyncadd.s32 $0xFFFFFEF0  }
0x76: {  	s19 =	sadd.s32 $0x10, s9;
	v1 =	vld.idx.msk [tilespmem:v1+s6+$0x0], $0xffff  }
0x77: {  	v2 =	vadd.s32 s19, v0;
	_ =	sdelay $0x3  }
0x78: {  	[tilespmem:$0x200] =	vst v1  }
0x79: {  	s20 =	sadd.s32 $0x20, s9;
	v1 =	vld.idx.msk [tilespmem:v2+s6+$0x0], $0xffff  }
0x7a: {  	v2 =	vadd.s32 s20, v0;
	_ =	sdelay $0x3  }
0x7b: {  	[tilespmem:$0x210] =	vst v1  }
0x7c: {  	s21 =	sadd.s32 $0x30, s9;
	v1 =	vld.idx.msk [tilespmem:v2+s6+$0x0], $0xffff  }
0x7d: {  	v2 =	vadd.s32 s21, v0;
	_ =	sdelay $0x3  }
0x7e: {  	[tilespmem:$0x220] =	vst v1  }
0x7f: {  	s22 =	sadd.s32 $0x40, s9;
	v1 =	vld.idx.msk [tilespmem:v2+s6+$0x0], $0xffff  }
0x80: {  	v2 =	vadd.s32 s22, v0;
	_ =	sdelay $0x3  }
0x81: {  	[tilespmem:$0x230] =	vst v1  }
0x82: {  	s23 =	sadd.s32 $0x50, s9;
	v1 =	vld.idx.msk [tilespmem:v2+s6+$0x0], $0xffff  }
0x83: {  	v2 =	vadd.s32 s23, v0;
	_ =	sdelay $0x3  }
0x84: {  	[tilespmem:$0x240] =	vst v1  }
0x85: {  	s18 =	sadd.s32 $0x60, s9;
	v1 =	vld.idx.msk [tilespmem:v2+s6+$0x0], $0xffff  }
0x86: {  	v2 =	vadd.s32 s18, v0;
	_ =	sdelay $0x3  }
0x87: {  	[tilespmem:$0x250] =	vst v1  }
0x88: {  	s17 =	sadd.s32 $0x70, s9;
	v1 =	vld.idx.msk [tilespmem:v2+s6+$0x0], $0xffff  }
0x89: {  	v2 =	vadd.s32 s17, v0;
	_ =	sdelay $0x3  }
0x8a: {  	[tilespmem:$0x260] =	vst v1  }
0x8b: {  	s16 =	sadd.s32 $0x80, s9;
	v1 =	vld.idx.msk [tilespmem:v2+s6+$0x0], $0xffff  }
0x8c: {  	v2 =	vadd.s32 s16, v0;
	_ =	sdelay $0x3  }
0x8d: {  	[tilespmem:$0x270] =	vst v1  }
0x8e: {  	s15 =	sadd.s32 $0x90, s9;
	v1 =	vld.idx.msk [tilespmem:v2+s6+$0x0], $0xffff  }
0x8f: {  	v2 =	vadd.s32 s15, v0;
	_ =	sdelay $0x3  }
0x90: {  	[tilespmem:$0x280] =	vst v1  }
0x91: {  	s14 =	sadd.s32 $0xA0, s9;
	v1 =	vld.idx.msk [tilespmem:v2+s6+$0x0], $0xffff  }
0x92: {  	v2 =	vadd.s32 s14, v0;
	_ =	sdelay $0x3  }
0x93: {  	[tilespmem:$0x290] =	vst v1  }
0x94: {  	s13 =	sadd.s32 $0xB0, s9;
	v1 =	vld.idx.msk [tilespmem:v2+s6+$0x0], $0xffff  }
0x95: {  	v2 =	vadd.s32 s13, v0;
	_ =	sdelay $0x3  }
0x96: {  	[tilespmem:$0x2A0] =	vst v1  }
0x97: {  	s12 =	sadd.s32 $0xC0, s9;
	v1 =	vld.idx.msk [tilespmem:v2+s6+$0x0], $0xffff  }
0x98: {  	v2 =	vadd.s32 s12, v0;
	_ =	sdelay $0x3  }
0x99: {  	[tilespmem:$0x2B0] =	vst v1  }
0x9a: {  	s30 =	sadd.s32 $0xD0, s9;
	v1 =	vld.idx.msk [tilespmem:v2+s6+$0x0], $0xffff  }
0x9b: {  	v2 =	vadd.s32 s30, v0;
	_ =	sdelay $0x3  }
0x9c: {  	[tilespmem:$0x2C0] =	vst v1  }
0x9d: {  	s31 =	sadd.s32 $0xE0, s9;
	v1 =	vld.idx.msk [tilespmem:v2+s6+$0x0], $0xffff  }
0x9e: {  	v2 =	vadd.s32 s31, v0;
	_ =	sdelay $0x3  }
0x9f: {  	[tilespmem:$0x2D0] =	vst v1  }
0xa0: {  	s9 =	sadd.s32 $0xF0, s9;
	v1 =	vld.idx.msk [tilespmem:v2+s6+$0x0], $0xffff  }
0xa1: {  	v2 =	vadd.s32 s9, v0;
	_ =	sdelay $0x3  }
0xa2: {  	[tilespmem:$0x2E0] =	vst v1  }
0xa3: {  	v1 =	vld.idx.msk [tilespmem:v2+s6+$0x0], $0xffff;
	_ =	sdelay $0x2  }
0xa4: {  	p1 =	sne.s32 s8, $0x1  }
.Ltmp2:
0xa5: {  	_ = 	snop;
	(pc) =	sbr.rel @p1 .LBB2_2-.Ltmp2, $4  }
0xa6: {  	[tilespmem:$0x2F0] =	vst v1  }
0xa7: {  	[hbm4b:s4+s2] =	stream.linear.scatter [tilespmem:s5], [sflag:$0x1], $0x100, $0x38;
	[tilespmem:$0x300] =	vst v63  }
0xa8: {  	_ =	swait.ge [sflag:s3], $0x100  }
0xa9: {  	s8 =	sadd.s32 $0xFFFFFFFF, s8;
	s9 =	rddreg [dreg:$0x3];
	[sflag:s3] =	ssyncset.done $0x0  }
.LBB2_3:
0xaa: {  	[sflag:s3] =	ssyncadd.s32 @p0 $0xFFFFFF00  }
0xab: {  	[tilespmem:s2], [sflag:$0x1] =	stream.linear.gather [hbm4b:s9+s2], $0x80, $0x38;
	[tilespmem:$0x300] =	vst v63  }
0xac: {  	_ =	swait.ge [sflag:s3], $0x80  }
0xad: {  	[sflag:s3] =	ssyncset.done $0x0  }
0xae: {  	[sflag:s3] =	ssyncadd.s32 $0xFFFFFF80  }
0xaf: {  	v1 =	vld [tilespmem:$0x0];
	_ =	sdelay $0x4  }
0xb0: {  	(xrf0) =	vadd.scan.msk.s32 $0xffff, v1;
	_ =	sdelay $0x5  }
0xb1: {  	v2, _, _ =	vpop (xrf0)  }
0xb2: {  	v1 =	vsub.s32 v2, v1  }
0xb3: {  	v1 =	vnsel vm0, $0x0, v1  }
0xb4: {  	(xrf0) =	vadd.scan.msk.s32 $0xffff, v1;
	_ =	sdelay $0x5  }
0xb5: {  	v1, _, _ =	vpop (xrf0)  }
0xb6: {  	(v2sf) =	vpush v1, $0xF;
	_ =	sdelay $0xe  }
0xb7: {  	s8 =	rddreg [dreg:$0x4];
	s14 =	spop (v2sf)  }
0xb8: {  	s8 =	sadd.s32 s14, s8;
	s9 =	sand.u32 $0xF, s14  }
0xb9: {  	s10 =	sshra.s32 s8, $0x1F;
	p6 =	slt.s32 s8, $0x1;
	p1 =	sne.s32 s9, $0x0  }
0xba: {  	s15 =	sshrl.u32 s10, $0x1C;
	p0 =	por !p1, !p6  }
0xbb: {  	s10 =	simm.s32 $0x1;
	s9 =	sadd.s32 s15, s8;
	p0 =	por !p0, !p0  }
0xbc: {  	s9 =	sshrl.u32 s9, $0x4;
	s10 =	simm.s32 @!p0 $0x0  }
0xbd: {  	s9 =	ssub.s32 s9, s10  }
0xbe: {  	s9 =	sshll.u32 s9, $0x4  }
0xbf: {  	s8 =	ssub.s32 s8, s9;
	s9 =	sshrl.u32 s9, $0x3  }
0xc0: {  	s7 =	sadd.s32 s7, s9;
	v48 =	vadd.s32 s8, v0  }
0xc1: {  	[tilespmem:s6], [sflag:$0x1] =	stream.linear.gather [hbm4b:s7+s2], $0x110, $0x38;
	[tilespmem:$0x300] =	vst v63  }
0xc2: {  	_ =	swait.ge [sflag:s3], $0x110  }
0xc3: {  	[sflag:s3] =	ssyncset.done $0x0  }
0xc4: {  	[sflag:s3] =	ssyncadd.s32 $0xFFFFFEF0  }
0xc5: {  	s16 =	sadd.s32 $0x10, s8;
	v1 =	vld.idx.msk [tilespmem:v48+s6+$0x0], $0xffff  }
0xc6: {  	v49 =	vadd.s32 s16, v0;
	_ =	sdelay $0x3  }
0xc7: {  	[tilespmem:$0x200] =	vst v1  }
0xc8: {  	s17 =	sadd.s32 $0x20, s8;
	v1 =	vld.idx.msk [tilespmem:v49+s6+$0x0], $0xffff  }
0xc9: {  	v50 =	vadd.s32 s17, v0;
	_ =	sdelay $0x3  }
0xca: {  	[tilespmem:$0x210] =	vst v1  }
0xcb: {  	s18 =	sadd.s32 $0x30, s8;
	v1 =	vld.idx.msk [tilespmem:v50+s6+$0x0], $0xffff  }
0xcc: {  	v51 =	vadd.s32 s18, v0;
	_ =	sdelay $0x3  }
0xcd: {  	[tilespmem:$0x220] =	vst v1  }
0xce: {  	s19 =	sadd.s32 $0x40, s8;
	v1 =	vld.idx.msk [tilespmem:v51+s6+$0x0], $0xffff  }
0xcf: {  	v52 =	vadd.s32 s19, v0;
	_ =	sdelay $0x3  }
0xd0: {  	[tilespmem:$0x230] =	vst v1  }
0xd1: {  	s20 =	sadd.s32 $0x50, s8;
	v1 =	vld.idx.msk [tilespmem:v52+s6+$0x0], $0xffff  }
0xd2: {  	v53 =	vadd.s32 s20, v0;
	_ =	sdelay $0x3  }
0xd3: {  	[tilespmem:$0x240] =	vst v1  }
0xd4: {  	s21 =	sadd.s32 $0x60, s8;
	v1 =	vld.idx.msk [tilespmem:v53+s6+$0x0], $0xffff  }
0xd5: {  	v54 =	vadd.s32 s21, v0;
	_ =	sdelay $0x3  }
0xd6: {  	[tilespmem:$0x250] =	vst v1  }
0xd7: {  	s22 =	sadd.s32 $0x70, s8;
	v1 =	vld.idx.msk [tilespmem:v54+s6+$0x0], $0xffff  }
0xd8: {  	v55 =	vadd.s32 s22, v0;
	_ =	sdelay $0x3  }
0xd9: {  	[tilespmem:$0x260] =	vst v1  }
0xda: {  	s23 =	sadd.s32 $0x80, s8;
	v1 =	vld.idx.msk [tilespmem:v55+s6+$0x0], $0xffff  }
0xdb: {  	v56 =	vadd.s32 s23, v0;
	_ =	sdelay $0x3  }
0xdc: {  	[tilespmem:$0x270] =	vst v1  }
0xdd: {  	s24 =	sadd.s32 $0x90, s8;
	v1 =	vld.idx.msk [tilespmem:v56+s6+$0x0], $0xffff  }
0xde: {  	v57 =	vadd.s32 s24, v0;
	_ =	sdelay $0x3  }
0xdf: {  	[tilespmem:$0x280] =	vst v1  }
0xe0: {  	s25 =	sadd.s32 $0xA0, s8;
	v1 =	vld.idx.msk [tilespmem:v57+s6+$0x0], $0xffff  }
0xe1: {  	v58 =	vadd.s32 s25, v0;
	_ =	sdelay $0x3  }
0xe2: {  	[tilespmem:$0x290] =	vst v1  }
0xe3: {  	s26 =	sadd.s32 $0xB0, s8;
	v1 =	vld.idx.msk [tilespmem:v58+s6+$0x0], $0xffff  }
0xe4: {  	v59 =	vadd.s32 s26, v0;
	_ =	sdelay $0x3  }
0xe5: {  	[tilespmem:$0x2A0] =	vst v1  }
0xe6: {  	s28 =	sadd.s32 $0xC0, s8;
	v1 =	vld.idx.msk [tilespmem:v59+s6+$0x0], $0xffff  }
0xe7: {  	v60 =	vadd.s32 s28, v0;
	_ =	sdelay $0x3  }
0xe8: {  	[tilespmem:$0x2B0] =	vst v1  }
0xe9: {  	s29 =	sadd.s32 $0xD0, s8;
	v1 =	vld.idx.msk [tilespmem:v60+s6+$0x0], $0xffff  }
0xea: {  	v61 =	vadd.s32 s29, v0;
	_ =	sdelay $0x3  }
0xeb: {  	[tilespmem:$0x2C0] =	vst v1  }
0xec: {  	s30 =	sadd.s32 $0xE0, s8;
	v1 =	vld.idx.msk [tilespmem:v61+s6+$0x0], $0xffff  }
0xed: {  	v62 =	vadd.s32 s30, v0;
	_ =	sdelay $0x3  }
0xee: {  	[tilespmem:$0x2D0] =	vst v1  }
0xef: {  	s31 =	sadd.s32 $0xF0, s8;
	v1 =	vld.idx.msk [tilespmem:v62+s6+$0x0], $0xffff  }
0xf0: {  	v63 =	vadd.s32 s31, v0;
	_ =	sdelay $0x3  }
0xf1: {  	[tilespmem:$0x2E0] =	vst v1  }
0xf2: {  	v0 =	vld.idx.msk [tilespmem:v63+s6+$0x0], $0xffff;
	_ =	sdelay $0x4  }
0xf3: {  	[tilespmem:$0x2F0] =	vst v0  }
0xf4: {  	[hbm4b:s4+s2] =	stream.linear.scatter [tilespmem:s5], [sflag:$0x1], $0x100, $0x38;
	[tilespmem:$0x300] =	vst v63  }
0xf5: {  	_ =	swait.ge [sflag:s3], $0x100  }
0xf6: {  	[sflag:s3] =	ssyncset.done $0x0  }
0xf7: {  	[sflag:s3] =	ssyncadd.s32 $0xFFFFFF00  }
0xf8: {  	_ =	sfence.sel $0x180000  }
0xf9: {  	[bflag:$0x0] =	sbarrier.arrive $0xFFFF  }
0xfa: {  	p0 =	sne.s32 s1, $0x0;
	_ =	strace $0x90000047  }
0xfb: {  	s0 =	sadd.s32 @!p0 $0x100000, s0;
	[bflag:$0x2] =	sbarrier.arrive $0xFFFF  }
0xfc: {  	[sflag:s0] =	ssyncadd.tile.s32 @!p0 $0x1;
	_ =	shalt  }
.Lfunc_end2:
_tile_overlayer_lowered:
.L_overlay_start_2:
0xfd: {  	(tag) =	ssettag $0x2  }
0xfe: {  	s0 =	rddreg [dreg:$0x0];
	s2 =	stileid.u32  }
0xff: {  	s1 =	rddreg [dreg:$0x1];
	p0 =	sne.s32 s2, $0x0  }
0x100: {  	s3 =	rddreg [dreg:$0x2];
	[bflag:$0x3] =	sbarrier.arrive $0xFFFF;
	s2 =	simm.s32 @!p0 $0x1C01  }
0x101: {  	[timem:s3], [sflag:s2] =	dma.local @!p0 [hbm:s0], s1  }
0x102: {  	s0 =	simm.s32 @!p0 $0x1  }
0x103: {  	_ =	swait.ge @!p0 [sflag:s0], s1  }
0x104: {  	s1 =	ssub.s32 @!p0 $0x0, s1;
	[sflag:s0] =	ssyncset.done @!p0 $0x0  }
0x105: {  	[sflag:s0] =	ssyncadd.s32 @!p0 s1  }
0x106: {  	[bflag:$0x3] =	sbarrier.arrive $0xFFFF  }
0x107: {  	_ =	shalt  }

</sc_bundles>
